<compile_context>
chip_gen: v7x
topology: tpu7x:2x2x1
jax: 0.10.2.dev20260603
libtpu: 0.0.44.dev20260713+nightly
codegen_flags: <defaults>
</compile_context>

<pallas_src>
import jax
import jax.numpy as jnp
from jax import lax
from jax.experimental import pallas as pl
from jax.experimental.pallas import tpu as pltpu
from jax.experimental.pallas import tpu_sc as plsc

_N = 10000
_D = 128
_E = 320000

_NC = 2
_NS = 16
_NW = _NC * _NS
_C = 128
_NCH = 80
_NP2 = _NCH // 2
_EW = _C * _NCH
_EPAD = _NW * _EW
_NPAD = 10240
_RPT = _NPAD // _NS

_BR = 1024
_GRID = _NPAD // _BR


def _agg_body(h_hbm, src_hbm, dst_hbm, z_hbm, p_out, sidx, didx, rows, zbuf,
              acc, ss0, ss1, sd0, sd1, sg0, sg1):
    c = lax.axis_index("c")
    s = lax.axis_index("s")
    base = (c * _NS + s) * _EW
    r0 = s * _RPT
    pltpu.sync_copy(z_hbm, zbuf)

    @pl.loop(0, _RPT // 64)
    def _z(k):
        rr = pl.multiple_of(r0 + k * 64, 64)
        pltpu.sync_copy(zbuf, acc.at[pl.ds(rr, 64)])

    plsc.subcore_barrier()

    c00 = pltpu.async_copy(src_hbm.at[pl.ds(base, _C)], sidx.at[0], ss0)
    c01 = pltpu.async_copy(dst_hbm.at[pl.ds(base, _C)], didx.at[0], sd0)
    c10 = pltpu.async_copy(src_hbm.at[pl.ds(base + _C, _C)], sidx.at[1], ss1)
    c11 = pltpu.async_copy(dst_hbm.at[pl.ds(base + _C, _C)], didx.at[1], sd1)

    @pl.loop(0, _NP2)
    def _pair(j):
        off = pl.multiple_of(base + j * (2 * _C), _C)
        pltpu.make_async_copy(src_hbm.at[pl.ds(off, _C)], sidx.at[0],
                              ss0).wait()
        g0 = pltpu.async_copy(h_hbm.at[sidx.at[0]], rows.at[0], sg0)
        pltpu.make_async_copy(src_hbm.at[pl.ds(off, _C)], sidx.at[1],
                              ss1).wait()
        g1 = pltpu.async_copy(h_hbm.at[sidx.at[1]], rows.at[1], sg1)
        g0.wait()
        pltpu.make_async_copy(dst_hbm.at[pl.ds(off, _C)], didx.at[0],
                              sd0).wait()
        pltpu.sync_copy(rows.at[0], acc.at[didx.at[0]], add=True)

        @pl.when(j + 1 < _NP2)
        def _pf0():
            nxt = pl.multiple_of(off + 2 * _C, _C)
            pltpu.async_copy(src_hbm.at[pl.ds(nxt, _C)], sidx.at[0], ss0)
            pltpu.async_copy(dst_hbm.at[pl.ds(nxt, _C)], didx.at[0], sd0)

        g1.wait()
        pltpu.make_async_copy(dst_hbm.at[pl.ds(off, _C)], didx.at[1],
                              sd1).wait()
        pltpu.sync_copy(rows.at[1], acc.at[didx.at[1]], add=True)

        @pl.when(j + 1 < _NP2)
        def _pf1():
            nxt = pl.multiple_of(off + 3 * _C, _C)
            pltpu.async_copy(src_hbm.at[pl.ds(nxt, _C)], sidx.at[1], ss1)
            pltpu.async_copy(dst_hbm.at[pl.ds(nxt, _C)], didx.at[1], sd1)

    plsc.subcore_barrier()
    pltpu.sync_copy(acc.at[pl.ds(r0, _RPT)],
                    p_out.at[pl.ds(c * _NPAD + r0, _RPT)])


_agg = pl.kernel(
    _agg_body,
    out_type=jax.ShapeDtypeStruct((_NC * _NPAD, _D), jnp.float32),
    mesh=plsc.VectorSubcoreMesh(core_axis_name="c", subcore_axis_name="s"),
    scratch_types=[
        pltpu.VMEM((2, _C), jnp.int32),
        pltpu.VMEM((2, _C), jnp.int32),
        pltpu.VMEM((2, _C, _D), jnp.float32),
        pltpu.VMEM((64, _D), jnp.float32),
        pltpu.VMEM_SHARED((_NPAD, _D), jnp.float32),
        pltpu.SemaphoreType.DMA,
        pltpu.SemaphoreType.DMA,
        pltpu.SemaphoreType.DMA,
        pltpu.SemaphoreType.DMA,
        pltpu.SemaphoreType.DMA,
        pltpu.SemaphoreType.DMA,
    ],
)


def _deg_body(dst_hbm, z_hbm, o_hbm, deg_out, didx, rows, zbuf, acc,
              sd0, sd1):
    c = lax.axis_index("c")
    s = lax.axis_index("s")
    base = (c * _NS + s) * _EW
    r0 = s * _RPT
    pltpu.sync_copy(z_hbm, zbuf)
    pltpu.sync_copy(o_hbm, rows.at[0])

    @pl.loop(0, _RPT // 64)
    def _z(k):
        rr = pl.multiple_of(r0 + k * 64, 64)
        pltpu.sync_copy(zbuf, acc.at[pl.ds(rr, 64)])

    plsc.subcore_barrier()

    c0 = pltpu.async_copy(dst_hbm.at[pl.ds(base, _C)], didx.at[0], sd0)
    c1 = pltpu.async_copy(dst_hbm.at[pl.ds(base + _C, _C)], didx.at[1], sd1)

    @pl.loop(0, _NP2)
    def _pair(j):
        off = pl.multiple_of(base + j * (2 * _C), _C)
        pltpu.make_async_copy(dst_hbm.at[pl.ds(off, _C)], didx.at[0],
                              sd0).wait()
        pltpu.sync_copy(rows.at[0], acc.at[didx.at[0]], add=True)

        @pl.when(j + 1 < _NP2)
        def _pf0():
            nxt = pl.multiple_of(off + 2 * _C, _C)
            pltpu.async_copy(dst_hbm.at[pl.ds(nxt, _C)], didx.at[0], sd0)

        pltpu.make_async_copy(dst_hbm.at[pl.ds(off, _C)], didx.at[1],
                              sd1).wait()
        pltpu.sync_copy(rows.at[0], acc.at[didx.at[1]], add=True)

        @pl.when(j + 1 < _NP2)
        def _pf1():
            nxt = pl.multiple_of(off + 3 * _C, _C)
            pltpu.async_copy(dst_hbm.at[pl.ds(nxt, _C)], didx.at[1], sd1)

    plsc.subcore_barrier()
    pltpu.sync_copy(acc.at[pl.ds(r0, _RPT)],
                    deg_out.at[pl.ds(c * _NPAD + r0, _RPT)])


_deg = pl.kernel(
    _deg_body,
    out_type=jax.ShapeDtypeStruct((_NC * _NPAD, _D), jnp.float32),
    mesh=plsc.VectorSubcoreMesh(core_axis_name="c", subcore_axis_name="s"),
    scratch_types=[
        pltpu.VMEM((2, _C), jnp.int32),
        pltpu.VMEM((1, _C, _D), jnp.float32),
        pltpu.VMEM((64, _D), jnp.float32),
        pltpu.VMEM_SHARED((_NPAD, _D), jnp.float32),
        pltpu.SemaphoreType.DMA,
        pltpu.SemaphoreType.DMA,
    ],
)


def _dense_body(p_ref, deg_ref, h_ref, xs_ref, wl_ref, bl_ref, wr_ref, a_ref,
                ws_ref, bs_ref, o_ref):
    agg = p_ref[0] + p_ref[1]
    deg = deg_ref[0] + deg_ref[1]
    inv = 1.0 / jnp.maximum(deg, 1.0)
    dims = (((1,), (1,)), ((), ()))
    z = lax.dot_general(agg * inv, wl_ref[...], dims,
                        preferred_element_type=jnp.float32)
    z = z + bl_ref[...][None, :] + lax.dot_general(
        h_ref[...], wr_ref[...], dims, preferred_element_type=jnp.float32)
    act = jnp.where(z >= 0, z, a_ref[...][None, :] * z)
    skip = lax.dot_general(xs_ref[...], ws_ref[...], dims,
                           preferred_element_type=jnp.float32)
    o_ref[...] = act + skip + bs_ref[...][None, :]


def _dense(p, degp, h, xs, wl, bl, wr, a, ws, bs):
    wspec = pl.BlockSpec((_D, _D), lambda i: (0, 0))
    bspec = pl.BlockSpec((_D,), lambda i: (0,))
    return pl.pallas_call(
        _dense_body,
        grid=(_GRID,),
        in_specs=[
            pl.BlockSpec((_NC, _BR, _D), lambda i: (0, i, 0)),
            pl.BlockSpec((_NC, _BR, _D), lambda i: (0, i, 0)),
            pl.BlockSpec((_BR, _D), lambda i: (i, 0)),
            pl.BlockSpec((_BR, _D), lambda i: (i, 0)),
            wspec, bspec, wspec, bspec, wspec, bspec,
        ],
        out_specs=pl.BlockSpec((_BR, _D), lambda i: (i, 0)),
        out_shape=jax.ShapeDtypeStruct((_NPAD, _D), jnp.float32),
    )(p, degp, h, xs, wl, bl, wr, a, ws, bs)


def kernel(x, edge_index, Wl0, bl0, Wr0, a0, Ws0, bs0, Wl1, bl1, Wr1, a1,
           Ws1, bs1):
    pad = _EPAD - _E
    src_p = jnp.concatenate([edge_index[0], jnp.zeros((pad,), jnp.int32)])
    dst_p = jnp.concatenate([edge_index[1], jnp.full((pad,), _N, jnp.int32)])
    zc = jnp.zeros((64, _D), jnp.float32)
    ones = jnp.ones((_C, _D), jnp.float32)
    xp = jnp.concatenate([x, jnp.zeros((_NPAD - _N, _D), jnp.float32)])

    degp = _deg(dst_p, zc, ones).reshape(_NC, _NPAD, _D)
    p0 = _agg(xp, src_p, dst_p, zc).reshape(_NC, _NPAD, _D)
    h1 = _dense(p0, degp, xp, xp, Wl0, bl0, Wr0, a0, Ws0, bs0)
    p1 = _agg(h1, src_p, dst_p, zc).reshape(_NC, _NPAD, _D)
    h2 = _dense(p1, degp, h1, xp, Wl1, bl1, Wr1, a1, Ws1, bs1)
    return h2[:_N]

# --- scband reference (transcript-rebuilt; emitter-appended) ---
"""Pipeline reference for scband-hetero-graph-sage-82420422410369 (READ-ONLY COPY).

The authoritative reference and input builder live on the scoring server;
editing this copy changes nothing except your own understanding.
"""

import jax, jax.numpy as jnp
import numpy as np

N = 10000
E = 320000
D = 128


def setup_inputs(seed: int = 0):
    key = jax.random.key(seed)
    ks = jax.random.split(key, 10)
    s = 1.0 / np.sqrt(D)
    inp = {}
    inp['x'] = jax.random.normal(ks[0], (N, D), dtype=jnp.float32)
    inp['edge_index'] = jax.random.randint(ks[1], (2, E), 0, N, dtype=jnp.int32)
    # layer 0: SAGEConv lin_l (neighbor, with bias), lin_r (root, no bias), PReLU, skip linear
    inp['Wl0'] = jax.random.uniform(ks[2], (D, D), minval=-s, maxval=s, dtype=jnp.float32)
    inp['bl0'] = jnp.zeros((D,), dtype=jnp.float32)
    inp['Wr0'] = jax.random.uniform(ks[3], (D, D), minval=-s, maxval=s, dtype=jnp.float32)
    inp['a0'] = jnp.full((D,), 0.25, dtype=jnp.float32)
    inp['Ws0'] = jax.random.uniform(ks[4], (D, D), minval=-s, maxval=s, dtype=jnp.float32)
    inp['bs0'] = jax.random.uniform(ks[5], (D,), minval=-s, maxval=s, dtype=jnp.float32)
    # layer 1
    inp['Wl1'] = jax.random.uniform(ks[6], (D, D), minval=-s, maxval=s, dtype=jnp.float32)
    inp['bl1'] = jnp.zeros((D,), dtype=jnp.float32)
    inp['Wr1'] = jax.random.uniform(ks[7], (D, D), minval=-s, maxval=s, dtype=jnp.float32)
    inp['a1'] = jnp.full((D,), 0.25, dtype=jnp.float32)
    inp['Ws1'] = jax.random.uniform(ks[8], (D, D), minval=-s, maxval=s, dtype=jnp.float32)
    inp['bs1'] = jax.random.uniform(ks[9], (D,), minval=-s, maxval=s, dtype=jnp.float32)
    return inp


def _sage(h, src, dst, Wl, bl, Wr):
    # mean aggregation of source-node messages at destination nodes
    ones = jnp.ones((src.shape[0],), dtype=h.dtype)
    deg = jax.ops.segment_sum(ones, dst, num_segments=N)
    agg = jax.ops.segment_sum(h[src], dst, num_segments=N)
    agg = agg / jnp.clip(deg, 1.0, None)[:, None]
    return agg @ Wl.T + bl + h @ Wr.T


def _prelu(z, a):
    return jnp.where(z >= 0, z, a * z)


def reference(x, edge_index, Wl0, bl0, Wr0, a0, Ws0, bs0, Wl1, bl1, Wr1, a1, Ws1, bs1):
    src = edge_index[0]
    dst = edge_index[1]
    # layer 0 (dropout p=0 -> identity)
    h = _prelu(_sage(x, src, dst, Wl0, bl0, Wr0), a0)
    h = h + (x @ Ws0.T + bs0)
    # layer 1
    h = _prelu(_sage(h, src, dst, Wl1, bl1, Wr1), a1)
    h = h + (x @ Ws1.T + bs1)
    return h

if __name__ == "__main__":
    import jax
    _d = setup_inputs()
    print(jax.jit(kernel)(*tuple(_d.values())))

</pallas_src>

<mosaic_0001>
#map = affine_map<(d0, d1) -> (0, 0)>
#map1 = affine_map<(d0, d1) -> (0)>
module attributes {stable_mosaic.version = 14 : i64} {
  func.func @_agg_body(%arg0: i32, %arg1: i32, %arg2: memref<10240x128xf32, #tpu.memory_space<hbm>>, %arg3: memref<327680xi32, #tpu.memory_space<hbm>>, %arg4: memref<327680xi32, #tpu.memory_space<hbm>>, %arg5: memref<64x128xf32, #tpu.memory_space<hbm>>, %arg6: memref<20480x128xf32, #tpu.memory_space<hbm>>, %arg7: memref<2x128xi32, #tpu.memory_space<vmem>>, %arg8: memref<2x128xi32, #tpu.memory_space<vmem>>, %arg9: memref<2x128x128xf32, #tpu.memory_space<vmem>>, %arg10: memref<64x128xf32, #tpu.memory_space<vmem>>, %arg11: memref<10240x128xf32, #tpu.memory_space<vmem_shared>>, %arg12: memref<!tpu.dma_semaphore, #tpu.memory_space<semaphore_mem>>, %arg13: memref<!tpu.dma_semaphore, #tpu.memory_space<semaphore_mem>>, %arg14: memref<!tpu.dma_semaphore, #tpu.memory_space<semaphore_mem>>, %arg15: memref<!tpu.dma_semaphore, #tpu.memory_space<semaphore_mem>>, %arg16: memref<!tpu.dma_semaphore, #tpu.memory_space<semaphore_mem>>, %arg17: memref<!tpu.dma_semaphore, #tpu.memory_space<semaphore_mem>>) attributes {dimension_semantics = [#tpu.dimension_semantics<core_parallel>, #tpu.dimension_semantics<subcore_parallel>], iteration_bounds = array<i64: 2, 16>, scalar_prefetch = 0 : i64, scratch_operands = 11 : i64, tpu.core_type = #tpu.core_type<sc_vector_subcore>, window_params = [{transform_indices = #map}, {transform_indices = #map1}, {transform_indices = #map1}, {transform_indices = #map}, {transform_indices = #map}]} {
    %mul3A = arith.constant 16 : i32
    %mul3A_0 = arith.muli %arg0, %mul3A : i32
    %add3A = arith.addi %mul3A_0, %arg1 : i32
    %mul3A_1 = arith.constant 10240 : i32
    %mul3A_2 = arith.muli %add3A, %mul3A_1 : i32
    %mul3A_3 = arith.constant 640 : i32
    %mul3A_4 = arith.muli %arg1, %mul3A_3 : i32
    "tpu.region"() ({
      %run_scoped3A = tpu.sem_alloc : memref<!tpu.dma_semaphore, #tpu.memory_space<semaphore_mem>>
      tpu.enqueue_dma source(%arg5 : memref<64x128xf32, #tpu.memory_space<hbm>>) target(%arg10 : memref<64x128xf32, #tpu.memory_space<vmem>>) target_semaphore(%run_scoped3A : memref<!tpu.dma_semaphore, #tpu.memory_space<semaphore_mem>>)
      tpu.wait_dma2 semaphore(%run_scoped3A : memref<!tpu.dma_semaphore, #tpu.memory_space<semaphore_mem>>) src(%arg5 : memref<64x128xf32, #tpu.memory_space<hbm>>) dst(%arg10 : memref<64x128xf32, #tpu.memory_space<vmem>>)
      tpu.yield
    }) : () -> ()
    %scan3A = arith.constant 0 : i32
    %scan3A_5 = arith.constant 10 : i32
    %scan3A_6 = arith.addi %scan3A, %scan3A_5 : i32
    %scan3A_7 = arith.constant 1 : i32
    scf.for %scan3A_57 = %scan3A to %scan3A_6 step %scan3A_7  : i32 {
      %mul3A_58 = arith.constant 1 : i32
      %mul3A_59 = arith.muli %scan3A_57, %mul3A_58 : i32
      %add3A_60 = arith.constant 0 : i32
      %add3A_61 = arith.addi %add3A_60, %mul3A_59 : i32
      %mul3A_62 = arith.constant 64 : i32
      %mul3A_63 = arith.muli %add3A_61, %mul3A_62 : i32
      %add3A_64 = arith.addi %mul3A_4, %mul3A_63 : i32
      %multiple_of3A = tpu.assume_multiple %add3A_64, 64 : i32
      "tpu.region"() ({
        %run_scoped3A = tpu.sem_alloc : memref<!tpu.dma_semaphore, #tpu.memory_space<semaphore_mem>>
        %dma_start3A_65 = arith.constant 0 : i32
        %dma_start3A_66 = tpu.memref_slice %arg11[%multiple_of3A, %dma_start3A_65] : memref<10240x128xf32, #tpu.memory_space<vmem_shared>> -> memref<64x128xf32, #tpu.memory_space<vmem_shared>>
        %dma_start3A_67 = arith.constant 0 : i32
        %dma_start3A_68 = tpu.memref_slice %arg11[%multiple_of3A, %dma_start3A_67] : memref<10240x128xf32, #tpu.memory_space<vmem_shared>> -> memref<64x128xf32, #tpu.memory_space<vmem_shared>>
        tpu.enqueue_dma source(%arg10 : memref<64x128xf32, #tpu.memory_space<vmem>>) target(%dma_start3A_68 : memref<64x128xf32, #tpu.memory_space<vmem_shared>>) target_semaphore(%run_scoped3A : memref<!tpu.dma_semaphore, #tpu.memory_space<semaphore_mem>>)
        %dma_wait3A = arith.constant 0 : i32
        %dma_wait3A_69 = tpu.memref_slice %arg11[%multiple_of3A, %dma_wait3A] : memref<10240x128xf32, #tpu.memory_space<vmem_shared>> -> memref<64x128xf32, #tpu.memory_space<vmem_shared>>
        %dma_wait3A_70 = arith.constant 0 : i32
        %dma_wait3A_71 = tpu.memref_slice %arg11[%multiple_of3A, %dma_wait3A_70] : memref<10240x128xf32, #tpu.memory_space<vmem_shared>> -> memref<64x128xf32, #tpu.memory_space<vmem_shared>>
        tpu.wait_dma2 semaphore(%run_scoped3A : memref<!tpu.dma_semaphore, #tpu.memory_space<semaphore_mem>>) src(%arg10 : memref<64x128xf32, #tpu.memory_space<vmem>>) dst(%dma_wait3A_71 : memref<64x128xf32, #tpu.memory_space<vmem_shared>>)
        tpu.yield
      }) : () -> ()
    }
    %scan3A_8 = arith.constant 10 : i32
    %barrier3A = arith.constant 0 : index
    tpu.barrier barrier_id(%barrier3A)
    %dma_start3A = arith.constant 0 : i32
    %dma_start3A_9 = arith.constant 0 : i32
    %dma_start3A_10 = tpu.memref_slice %arg7[%dma_start3A, %dma_start3A_9] : memref<2x128xi32, #tpu.memory_space<vmem>> -> memref<1x128xi32, #tpu.memory_space<vmem>>
    %dma_start3A_11 = tpu.memref_squeeze %dma_start3A_10 : memref<1x128xi32, #tpu.memory_space<vmem>> -> memref<128xi32, #tpu.memory_space<vmem>>
    %dma_start3A_12 = tpu.memref_slice %arg3[%mul3A_2] : memref<327680xi32, #tpu.memory_space<hbm>> -> memref<128xi32, #tpu.memory_space<hbm>>
    %dma_start3A_13 = arith.constant 0 : i32
    %dma_start3A_14 = tpu.memref_slice %arg7[%dma_start3A, %dma_start3A_13] : memref<2x128xi32, #tpu.memory_space<vmem>> -> memref<1x128xi32, #tpu.memory_space<vmem>>
    %dma_start3A_15 = tpu.memref_squeeze %dma_start3A_14 : memref<1x128xi32, #tpu.memory_space<vmem>> -> memref<128xi32, #tpu.memory_space<vmem>>
    %dma_start3A_16 = tpu.memref_slice %arg3[%mul3A_2] : memref<327680xi32, #tpu.memory_space<hbm>> -> memref<128xi32, #tpu.memory_space<hbm>>
    tpu.enqueue_dma source(%dma_start3A_16 : memref<128xi32, #tpu.memory_space<hbm>>) target(%dma_start3A_15 : memref<128xi32, #tpu.memory_space<vmem>>) target_semaphore(%arg12 : memref<!tpu.dma_semaphore, #tpu.memory_space<semaphore_mem>>)
    %dma_start3A_17 = arith.constant 0 : i32
    %dma_start3A_18 = arith.constant 0 : i32
    %dma_start3A_19 = tpu.memref_slice %arg8[%dma_start3A_17, %dma_start3A_18] : memref<2x128xi32, #tpu.memory_space<vmem>> -> memref<1x128xi32, #tpu.memory_space<vmem>>
    %dma_start3A_20 = tpu.memref_squeeze %dma_start3A_19 : memref<1x128xi32, #tpu.memory_space<vmem>> -> memref<128xi32, #tpu.memory_space<vmem>>
    %dma_start3A_21 = tpu.memref_slice %arg4[%mul3A_2] : memref<327680xi32, #tpu.memory_space<hbm>> -> memref<128xi32, #tpu.memory_space<hbm>>
    %dma_start3A_22 = arith.constant 0 : i32
    %dma_start3A_23 = tpu.memref_slice %arg8[%dma_start3A_17, %dma_start3A_22] : memref<2x128xi32, #tpu.memory_space<vmem>> -> memref<1x128xi32, #tpu.memory_space<vmem>>
    %dma_start3A_24 = tpu.memref_squeeze %dma_start3A_23 : memref<1x128xi32, #tpu.memory_space<vmem>> -> memref<128xi32, #tpu.memory_space<vmem>>
    %dma_start3A_25 = tpu.memref_slice %arg4[%mul3A_2] : memref<327680xi32, #tpu.memory_space<hbm>> -> memref<128xi32, #tpu.memory_space<hbm>>
    tpu.enqueue_dma source(%dma_start3A_25 : memref<128xi32, #tpu.memory_space<hbm>>) target(%dma_start3A_24 : memref<128xi32, #tpu.memory_space<vmem>>) target_semaphore(%arg14 : memref<!tpu.dma_semaphore, #tpu.memory_space<semaphore_mem>>)
    %add3A_26 = arith.constant 128 : i32
    %add3A_27 = arith.addi %mul3A_2, %add3A_26 : i32
    %dma_start3A_28 = arith.constant 1 : i32
    %dma_start3A_29 = arith.constant 0 : i32
    %dma_start3A_30 = tpu.memref_slice %arg7[%dma_start3A_28, %dma_start3A_29] : memref<2x128xi32, #tpu.memory_space<vmem>> -> memref<1x128xi32, #tpu.memory_space<vmem>>
    %dma_start3A_31 = tpu.memref_squeeze %dma_start3A_30 : memref<1x128xi32, #tpu.memory_space<vmem>> -> memref<128xi32, #tpu.memory_space<vmem>>
    %dma_start3A_32 = tpu.memref_slice %arg3[%add3A_27] : memref<327680xi32, #tpu.memory_space<hbm>> -> memref<128xi32, #tpu.memory_space<hbm>>
    %dma_start3A_33 = arith.constant 0 : i32
    %dma_start3A_34 = tpu.memref_slice %arg7[%dma_start3A_28, %dma_start3A_33] : memref<2x128xi32, #tpu.memory_space<vmem>> -> memref<1x128xi32, #tpu.memory_space<vmem>>
    %dma_start3A_35 = tpu.memref_squeeze %dma_start3A_34 : memref<1x128xi32, #tpu.memory_space<vmem>> -> memref<128xi32, #tpu.memory_space<vmem>>
    %dma_start3A_36 = tpu.memref_slice %arg3[%add3A_27] : memref<327680xi32, #tpu.memory_space<hbm>> -> memref<128xi32, #tpu.memory_space<hbm>>
    tpu.enqueue_dma source(%dma_start3A_36 : memref<128xi32, #tpu.memory_space<hbm>>) target(%dma_start3A_35 : memref<128xi32, #tpu.memory_space<vmem>>) target_semaphore(%arg13 : memref<!tpu.dma_semaphore, #tpu.memory_space<semaphore_mem>>)
    %add3A_37 = arith.constant 128 : i32
    %add3A_38 = arith.addi %mul3A_2, %add3A_37 : i32
    %dma_start3A_39 = arith.constant 1 : i32
    %dma_start3A_40 = arith.constant 0 : i32
    %dma_start3A_41 = tpu.memref_slice %arg8[%dma_start3A_39, %dma_start3A_40] : memref<2x128xi32, #tpu.memory_space<vmem>> -> memref<1x128xi32, #tpu.memory_space<vmem>>
    %dma_start3A_42 = tpu.memref_squeeze %dma_start3A_41 : memref<1x128xi32, #tpu.memory_space<vmem>> -> memref<128xi32, #tpu.memory_space<vmem>>
    %dma_start3A_43 = tpu.memref_slice %arg4[%add3A_38] : memref<327680xi32, #tpu.memory_space<hbm>> -> memref<128xi32, #tpu.memory_space<hbm>>
    %dma_start3A_44 = arith.constant 0 : i32
    %dma_start3A_45 = tpu.memref_slice %arg8[%dma_start3A_39, %dma_start3A_44] : memref<2x128xi32, #tpu.memory_space<vmem>> -> memref<1x128xi32, #tpu.memory_space<vmem>>
    %dma_start3A_46 = tpu.memref_squeeze %dma_start3A_45 : memref<1x128xi32, #tpu.memory_space<vmem>> -> memref<128xi32, #tpu.memory_space<vmem>>
    %dma_start3A_47 = tpu.memref_slice %arg4[%add3A_38] : memref<327680xi32, #tpu.memory_space<hbm>> -> memref<128xi32, #tpu.memory_space<hbm>>
    tpu.enqueue_dma source(%dma_start3A_47 : memref<128xi32, #tpu.memory_space<hbm>>) target(%dma_start3A_46 : memref<128xi32, #tpu.memory_space<vmem>>) target_semaphore(%arg15 : memref<!tpu.dma_semaphore, #tpu.memory_space<semaphore_mem>>)
    %scan3A_48 = arith.constant 0 : i32
    %scan3A_49 = arith.constant 40 : i32
    %scan3A_50 = arith.addi %scan3A_48, %scan3A_49 : i32
    %scan3A_51 = arith.constant 1 : i32
    scf.for %scan3A_57 = %scan3A_48 to %scan3A_50 step %scan3A_51  : i32 {
      %mul3A_58 = arith.constant 1 : i32
      %mul3A_59 = arith.muli %scan3A_57, %mul3A_58 : i32
      %add3A_60 = arith.constant 0 : i32
      %add3A_61 = arith.addi %add3A_60, %mul3A_59 : i32
      %mul3A_62 = arith.constant 256 : i32
      %mul3A_63 = arith.muli %add3A_61, %mul3A_62 : i32
      %add3A_64 = arith.addi %mul3A_2, %mul3A_63 : i32
      %multiple_of3A = tpu.assume_multiple %add3A_64, 128 : i32
      %dma_wait3A = arith.constant 0 : i32
      %dma_wait3A_65 = arith.constant 0 : i32
      %dma_wait3A_66 = tpu.memref_slice %arg7[%dma_wait3A, %dma_wait3A_65] : memref<2x128xi32, #tpu.memory_space<vmem>> -> memref<1x128xi32, #tpu.memory_space<vmem>>
      %dma_wait3A_67 = tpu.memref_squeeze %dma_wait3A_66 : memref<1x128xi32, #tpu.memory_space<vmem>> -> memref<128xi32, #tpu.memory_space<vmem>>
      %dma_wait3A_68 = tpu.memref_slice %arg3[%multiple_of3A] : memref<327680xi32, #tpu.memory_space<hbm>> -> memref<128xi32, #tpu.memory_space<hbm>>
      %dma_wait3A_69 = arith.constant 0 : i32
      %dma_wait3A_70 = tpu.memref_slice %arg7[%dma_wait3A, %dma_wait3A_69] : memref<2x128xi32, #tpu.memory_space<vmem>> -> memref<1x128xi32, #tpu.memory_space<vmem>>
      %dma_wait3A_71 = tpu.memref_squeeze %dma_wait3A_70 : memref<1x128xi32, #tpu.memory_space<vmem>> -> memref<128xi32, #tpu.memory_space<vmem>>
      %dma_wait3A_72 = tpu.memref_slice %arg3[%multiple_of3A] : memref<327680xi32, #tpu.memory_space<hbm>> -> memref<128xi32, #tpu.memory_space<hbm>>
      tpu.wait_dma2 semaphore(%arg12 : memref<!tpu.dma_semaphore, #tpu.memory_space<semaphore_mem>>) src(%dma_wait3A_72 : memref<128xi32, #tpu.memory_space<hbm>>) dst(%dma_wait3A_71 : memref<128xi32, #tpu.memory_space<vmem>>)
      %dma_start3A_73 = arith.constant 0 : i32
      %dma_start3A_74 = arith.constant 0 : i32
      %dma_start3A_75 = arith.constant 0 : i32
      %dma_start3A_76 = arith.constant 0 : i32
      %dma_start3A_77 = tpu.memref_slice %arg9[%dma_start3A_74, %dma_start3A_75, %dma_start3A_76] : memref<2x128x128xf32, #tpu.memory_space<vmem>> -> memref<1x128x128xf32, #tpu.memory_space<vmem>>
      %dma_start3A_78 = tpu.memref_squeeze %dma_start3A_77 : memref<1x128x128xf32, #tpu.memory_space<vmem>> -> memref<128x128xf32, #tpu.memory_space<vmem>>
      %dma_start3A_79 = arith.constant 0 : i32
      %dma_start3A_80 = tpu.memref_slice %arg7[%dma_start3A_73, %dma_start3A_79] : memref<2x128xi32, #tpu.memory_space<vmem>> -> memref<1x128xi32, #tpu.memory_space<vmem>>
      %dma_start3A_81 = tpu.memref_squeeze %dma_start3A_80 : memref<1x128xi32, #tpu.memory_space<vmem>> -> memref<128xi32, #tpu.memory_space<vmem>>
      %dma_start3A_82 = arith.constant 0 : i32
      %dma_start3A_83 = arith.constant 0 : i32
      %dma_start3A_84 = tpu.memref_slice %arg2[%dma_start3A_82, %dma_start3A_83] : memref<10240x128xf32, #tpu.memory_space<hbm>> -> memref<10240x128xf32, #tpu.memory_space<hbm>>
      tpu.enqueue_indirect_dma source(%dma_start3A_84 : memref<10240x128xf32, #tpu.memory_space<hbm>>) target(%dma_start3A_78 : memref<128x128xf32, #tpu.memory_space<vmem>>) offsets(%dma_start3A_81 : memref<128xi32, #tpu.memory_space<vmem>>) semaphore(%arg16 : memref<!tpu.dma_semaphore, #tpu.memory_space<semaphore_mem>>)
      %dma_wait3A_85 = arith.constant 1 : i32
      %dma_wait3A_86 = arith.constant 0 : i32
      %dma_wait3A_87 = tpu.memref_slice %arg7[%dma_wait3A_85, %dma_wait3A_86] : memref<2x128xi32, #tpu.memory_space<vmem>> -> memref<1x128xi32, #tpu.memory_space<vmem>>
      %dma_wait3A_88 = tpu.memref_squeeze %dma_wait3A_87 : memref<1x128xi32, #tpu.memory_space<vmem>> -> memref<128xi32, #tpu.memory_space<vmem>>
      %dma_wait3A_89 = tpu.memref_slice %arg3[%multiple_of3A] : memref<327680xi32, #tpu.memory_space<hbm>> -> memref<128xi32, #tpu.memory_space<hbm>>
      %dma_wait3A_90 = arith.constant 0 : i32
      %dma_wait3A_91 = tpu.memref_slice %arg7[%dma_wait3A_85, %dma_wait3A_90] : memref<2x128xi32, #tpu.memory_space<vmem>> -> memref<1x128xi32, #tpu.memory_space<vmem>>
      %dma_wait3A_92 = tpu.memref_squeeze %dma_wait3A_91 : memref<1x128xi32, #tpu.memory_space<vmem>> -> memref<128xi32, #tpu.memory_space<vmem>>
      %dma_wait3A_93 = tpu.memref_slice %arg3[%multiple_of3A] : memref<327680xi32, #tpu.memory_space<hbm>> -> memref<128xi32, #tpu.memory_space<hbm>>
      tpu.wait_dma2 semaphore(%arg13 : memref<!tpu.dma_semaphore, #tpu.memory_space<semaphore_mem>>) src(%dma_wait3A_93 : memref<128xi32, #tpu.memory_space<hbm>>) dst(%dma_wait3A_92 : memref<128xi32, #tpu.memory_space<vmem>>)
      %dma_start3A_94 = arith.constant 1 : i32
      %dma_start3A_95 = arith.constant 1 : i32
      %dma_start3A_96 = arith.constant 0 : i32
      %dma_start3A_97 = arith.constant 0 : i32
      %dma_start3A_98 = tpu.memref_slice %arg9[%dma_start3A_95, %dma_start3A_96, %dma_start3A_97] : memref<2x128x128xf32, #tpu.memory_space<vmem>> -> memref<1x128x128xf32, #tpu.memory_space<vmem>>
      %dma_start3A_99 = tpu.memref_squeeze %dma_start3A_98 : memref<1x128x128xf32, #tpu.memory_space<vmem>> -> memref<128x128xf32, #tpu.memory_space<vmem>>
      %dma_start3A_100 = arith.constant 0 : i32
      %dma_start3A_101 = tpu.memref_slice %arg7[%dma_start3A_94, %dma_start3A_100] : memref<2x128xi32, #tpu.memory_space<vmem>> -> memref<1x128xi32, #tpu.memory_space<vmem>>
      %dma_start3A_102 = tpu.memref_squeeze %dma_start3A_101 : memref<1x128xi32, #tpu.memory_space<vmem>> -> memref<128xi32, #tpu.memory_space<vmem>>
      %dma_start3A_103 = arith.constant 0 : i32
      %dma_start3A_104 = arith.constant 0 : i32
      %dma_start3A_105 = tpu.memref_slice %arg2[%dma_start3A_103, %dma_start3A_104] : memref<10240x128xf32, #tpu.memory_space<hbm>> -> memref<10240x128xf32, #tpu.memory_space<hbm>>
      tpu.enqueue_indirect_dma source(%dma_start3A_105 : memref<10240x128xf32, #tpu.memory_space<hbm>>) target(%dma_start3A_99 : memref<128x128xf32, #tpu.memory_space<vmem>>) offsets(%dma_start3A_102 : memref<128xi32, #tpu.memory_space<vmem>>) semaphore(%arg17 : memref<!tpu.dma_semaphore, #tpu.memory_space<semaphore_mem>>)
      %dma_wait3A_106 = arith.constant 0 : i32
      %dma_wait3A_107 = arith.constant 0 : i32
      %dma_wait3A_108 = arith.constant 0 : i32
      %dma_wait3A_109 = arith.constant 0 : i32
      %dma_wait3A_110 = tpu.memref_slice %arg9[%dma_wait3A_107, %dma_wait3A_108, %dma_wait3A_109] : memref<2x128x128xf32, #tpu.memory_space<vmem>> -> memref<1x128x128xf32, #tpu.memory_space<vmem>>
      %dma_wait3A_111 = tpu.memref_squeeze %dma_wait3A_110 : memref<1x128x128xf32, #tpu.memory_space<vmem>> -> memref<128x128xf32, #tpu.memory_space<vmem>>
      %dma_wait3A_112 = arith.constant 0 : i32
      %dma_wait3A_113 = tpu.memref_slice %arg7[%dma_wait3A_106, %dma_wait3A_112] : memref<2x128xi32, #tpu.memory_space<vmem>> -> memref<1x128xi32, #tpu.memory_space<vmem>>
      %dma_wait3A_114 = tpu.memref_squeeze %dma_wait3A_113 : memref<1x128xi32, #tpu.memory_space<vmem>> -> memref<128xi32, #tpu.memory_space<vmem>>
      %dma_wait3A_115 = arith.constant 0 : i32
      %dma_wait3A_116 = arith.constant 0 : i32
      %dma_wait3A_117 = tpu.memref_slice %arg2[%dma_wait3A_115, %dma_wait3A_116] : memref<10240x128xf32, #tpu.memory_space<hbm>> -> memref<10240x128xf32, #tpu.memory_space<hbm>>
      tpu.wait_indirect_dma semaphore(%arg16 : memref<!tpu.dma_semaphore, #tpu.memory_space<semaphore_mem>>) src(%dma_wait3A_117 : memref<10240x128xf32, #tpu.memory_space<hbm>>) dst(%dma_wait3A_111 : memref<128x128xf32, #tpu.memory_space<vmem>>)
      %dma_wait3A_118 = arith.constant 0 : i32
      %dma_wait3A_119 = arith.constant 0 : i32
      %dma_wait3A_120 = tpu.memref_slice %arg8[%dma_wait3A_118, %dma_wait3A_119] : memref<2x128xi32, #tpu.memory_space<vmem>> -> memref<1x128xi32, #tpu.memory_space<vmem>>
      %dma_wait3A_121 = tpu.memref_squeeze %dma_wait3A_120 : memref<1x128xi32, #tpu.memory_space<vmem>> -> memref<128xi32, #tpu.memory_space<vmem>>
      %dma_wait3A_122 = tpu.memref_slice %arg4[%multiple_of3A] : memref<327680xi32, #tpu.memory_space<hbm>> -> memref<128xi32, #tpu.memory_space<hbm>>
      %dma_wait3A_123 = arith.constant 0 : i32
      %dma_wait3A_124 = tpu.memref_slice %arg8[%dma_wait3A_118, %dma_wait3A_123] : memref<2x128xi32, #tpu.memory_space<vmem>> -> memref<1x128xi32, #tpu.memory_space<vmem>>
      %dma_wait3A_125 = tpu.memref_squeeze %dma_wait3A_124 : memref<1x128xi32, #tpu.memory_space<vmem>> -> memref<128xi32, #tpu.memory_space<vmem>>
      %dma_wait3A_126 = tpu.memref_slice %arg4[%multiple_of3A] : memref<327680xi32, #tpu.memory_space<hbm>> -> memref<128xi32, #tpu.memory_space<hbm>>
      tpu.wait_dma2 semaphore(%arg14 : memref<!tpu.dma_semaphore, #tpu.memory_space<semaphore_mem>>) src(%dma_wait3A_126 : memref<128xi32, #tpu.memory_space<hbm>>) dst(%dma_wait3A_125 : memref<128xi32, #tpu.memory_space<vmem>>)
      %run_scoped3A = arith.constant 0 : i32
      %run_scoped3A_127 = arith.constant 0 : i32
      "tpu.region"() ({
        %run_scoped3A_162 = tpu.sem_alloc : memref<!tpu.dma_semaphore, #tpu.memory_space<semaphore_mem>>
        %dma_start3A_163 = arith.constant 0 : i32
        %dma_start3A_164 = arith.constant 0 : i32
        %dma_start3A_165 = tpu.memref_slice %arg9[%run_scoped3A, %dma_start3A_163, %dma_start3A_164] : memref<2x128x128xf32, #tpu.memory_space<vmem>> -> memref<1x128x128xf32, #tpu.memory_space<vmem>>
        %dma_start3A_166 = tpu.memref_squeeze %dma_start3A_165 : memref<1x128x128xf32, #tpu.memory_space<vmem>> -> memref<128x128xf32, #tpu.memory_space<vmem>>
        %dma_start3A_167 = arith.constant 0 : i32
        %dma_start3A_168 = tpu.memref_slice %arg8[%run_scoped3A_127, %dma_start3A_167] : memref<2x128xi32, #tpu.memory_space<vmem>> -> memref<1x128xi32, #tpu.memory_space<vmem>>
        %dma_start3A_169 = tpu.memref_squeeze %dma_start3A_168 : memref<1x128xi32, #tpu.memory_space<vmem>> -> memref<128xi32, #tpu.memory_space<vmem>>
        %dma_start3A_170 = arith.constant 0 : i32
        %dma_start3A_171 = arith.constant 0 : i32
        %dma_start3A_172 = tpu.memref_slice %arg11[%dma_start3A_170, %dma_start3A_171] : memref<10240x128xf32, #tpu.memory_space<vmem_shared>> -> memref<10240x128xf32, #tpu.memory_space<vmem_shared>>
        tpu.enqueue_indirect_dma source(%dma_start3A_166 : memref<128x128xf32, #tpu.memory_space<vmem>>) target(%dma_start3A_172 : memref<10240x128xf32, #tpu.memory_space<vmem_shared>>) offsets(%dma_start3A_169 : memref<128xi32, #tpu.memory_space<vmem>>) semaphore(%run_scoped3A_162 : memref<!tpu.dma_semaphore, #tpu.memory_space<semaphore_mem>>) {add = true}
        %dma_wait3A_173 = arith.constant 0 : i32
        %dma_wait3A_174 = arith.constant 0 : i32
        %dma_wait3A_175 = tpu.memref_slice %arg9[%run_scoped3A, %dma_wait3A_173, %dma_wait3A_174] : memref<2x128x128xf32, #tpu.memory_space<vmem>> -> memref<1x128x128xf32, #tpu.memory_space<vmem>>
        %dma_wait3A_176 = tpu.memref_squeeze %dma_wait3A_175 : memref<1x128x128xf32, #tpu.memory_space<vmem>> -> memref<128x128xf32, #tpu.memory_space<vmem>>
        %dma_wait3A_177 = arith.constant 0 : i32
        %dma_wait3A_178 = tpu.memref_slice %arg8[%run_scoped3A_127, %dma_wait3A_177] : memref<2x128xi32, #tpu.memory_space<vmem>> -> memref<1x128xi32, #tpu.memory_space<vmem>>
        %dma_wait3A_179 = tpu.memref_squeeze %dma_wait3A_178 : memref<1x128xi32, #tpu.memory_space<vmem>> -> memref<128xi32, #tpu.memory_space<vmem>>
        %dma_wait3A_180 = arith.constant 0 : i32
        %dma_wait3A_181 = arith.constant 0 : i32
        %dma_wait3A_182 = tpu.memref_slice %arg11[%dma_wait3A_180, %dma_wait3A_181] : memref<10240x128xf32, #tpu.memory_space<vmem_shared>> -> memref<10240x128xf32, #tpu.memory_space<vmem_shared>>
        tpu.wait_indirect_dma semaphore(%run_scoped3A_162 : memref<!tpu.dma_semaphore, #tpu.memory_space<semaphore_mem>>) src(%dma_wait3A_176 : memref<128x128xf32, #tpu.memory_space<vmem>>) dst(%dma_wait3A_182 : memref<10240x128xf32, #tpu.memory_space<vmem_shared>>)
        tpu.yield
      }) : () -> ()
      %add3A_128 = arith.constant 1 : i32
      %add3A_129 = arith.addi %add3A_61, %add3A_128 : i32
      %lt3A = arith.constant 40 : i32
      %lt3A_130 = arith.cmpi slt, %add3A_129, %lt3A : i32
      %convert_element_type3A = arith.extui %lt3A_130 : i1 to i32
      %cond3A = arith.constant 0 : i32
      %cond3A_131 = arith.cmpi ne, %convert_element_type3A, %cond3A : i32
      scf.if %cond3A_131 {
        %add3A_162 = arith.constant 256 : i32
        %add3A_163 = arith.addi %multiple_of3A, %add3A_162 : i32
        %multiple_of3A_164 = tpu.assume_multiple %add3A_163, 128 : i32
        %dma_start3A_165 = arith.constant 0 : i32
        %dma_start3A_166 = arith.constant 0 : i32
        %dma_start3A_167 = tpu.memref_slice %arg7[%dma_start3A_165, %dma_start3A_166] : memref<2x128xi32, #tpu.memory_space<vmem>> -> memref<1x128xi32, #tpu.memory_space<vmem>>
        %dma_start3A_168 = tpu.memref_squeeze %dma_start3A_167 : memref<1x128xi32, #tpu.memory_space<vmem>> -> memref<128xi32, #tpu.memory_space<vmem>>
        %dma_start3A_169 = tpu.memref_slice %arg3[%multiple_of3A_164] : memref<327680xi32, #tpu.memory_space<hbm>> -> memref<128xi32, #tpu.memory_space<hbm>>
        %dma_start3A_170 = arith.constant 0 : i32
        %dma_start3A_171 = tpu.memref_slice %arg7[%dma_start3A_165, %dma_start3A_170] : memref<2x128xi32, #tpu.memory_space<vmem>> -> memref<1x128xi32, #tpu.memory_space<vmem>>
        %dma_start3A_172 = tpu.memref_squeeze %dma_start3A_171 : memref<1x128xi32, #tpu.memory_space<vmem>> -> memref<128xi32, #tpu.memory_space<vmem>>
        %dma_start3A_173 = tpu.memref_slice %arg3[%multiple_of3A_164] : memref<327680xi32, #tpu.memory_space<hbm>> -> memref<128xi32, #tpu.memory_space<hbm>>
        tpu.enqueue_dma source(%dma_start3A_173 : memref<128xi32, #tpu.memory_space<hbm>>) target(%dma_start3A_172 : memref<128xi32, #tpu.memory_space<vmem>>) target_semaphore(%arg12 : memref<!tpu.dma_semaphore, #tpu.memory_space<semaphore_mem>>)
        %dma_start3A_174 = arith.constant 0 : i32
        %dma_start3A_175 = arith.constant 0 : i32
        %dma_start3A_176 = tpu.memref_slice %arg8[%dma_start3A_174, %dma_start3A_175] : memref<2x128xi32, #tpu.memory_space<vmem>> -> memref<1x128xi32, #tpu.memory_space<vmem>>
        %dma_start3A_177 = tpu.memref_squeeze %dma_start3A_176 : memref<1x128xi32, #tpu.memory_space<vmem>> -> memref<128xi32, #tpu.memory_space<vmem>>
        %dma_start3A_178 = tpu.memref_slice %arg4[%multiple_of3A_164] : memref<327680xi32, #tpu.memory_space<hbm>> -> memref<128xi32, #tpu.memory_space<hbm>>
        %dma_start3A_179 = arith.constant 0 : i32
        %dma_start3A_180 = tpu.memref_slice %arg8[%dma_start3A_174, %dma_start3A_179] : memref<2x128xi32, #tpu.memory_space<vmem>> -> memref<1x128xi32, #tpu.memory_space<vmem>>
        %dma_start3A_181 = tpu.memref_squeeze %dma_start3A_180 : memref<1x128xi32, #tpu.memory_space<vmem>> -> memref<128xi32, #tpu.memory_space<vmem>>
        %dma_start3A_182 = tpu.memref_slice %arg4[%multiple_of3A_164] : memref<327680xi32, #tpu.memory_space<hbm>> -> memref<128xi32, #tpu.memory_space<hbm>>
        tpu.enqueue_dma source(%dma_start3A_182 : memref<128xi32, #tpu.memory_space<hbm>>) target(%dma_start3A_181 : memref<128xi32, #tpu.memory_space<vmem>>) target_semaphore(%arg14 : memref<!tpu.dma_semaphore, #tpu.memory_space<semaphore_mem>>)
      } else {
      }
      %dma_wait3A_132 = arith.constant 1 : i32
      %dma_wait3A_133 = arith.constant 1 : i32
      %dma_wait3A_134 = arith.constant 0 : i32
      %dma_wait3A_135 = arith.constant 0 : i32
      %dma_wait3A_136 = tpu.memref_slice %arg9[%dma_wait3A_133, %dma_wait3A_134, %dma_wait3A_135] : memref<2x128x128xf32, #tpu.memory_space<vmem>> -> memref<1x128x128xf32, #tpu.memory_space<vmem>>
      %dma_wait3A_137 = tpu.memref_squeeze %dma_wait3A_136 : memref<1x128x128xf32, #tpu.memory_space<vmem>> -> memref<128x128xf32, #tpu.memory_space<vmem>>
      %dma_wait3A_138 = arith.constant 0 : i32
      %dma_wait3A_139 = tpu.memref_slice %arg7[%dma_wait3A_132, %dma_wait3A_138] : memref<2x128xi32, #tpu.memory_space<vmem>> -> memref<1x128xi32, #tpu.memory_space<vmem>>
      %dma_wait3A_140 = tpu.memref_squeeze %dma_wait3A_139 : memref<1x128xi32, #tpu.memory_space<vmem>> -> memref<128xi32, #tpu.memory_space<vmem>>
      %dma_wait3A_141 = arith.constant 0 : i32
      %dma_wait3A_142 = arith.constant 0 : i32
      %dma_wait3A_143 = tpu.memref_slice %arg2[%dma_wait3A_141, %dma_wait3A_142] : memref<10240x128xf32, #tpu.memory_space<hbm>> -> memref<10240x128xf32, #tpu.memory_space<hbm>>
      tpu.wait_indirect_dma semaphore(%arg17 : memref<!tpu.dma_semaphore, #tpu.memory_space<semaphore_mem>>) src(%dma_wait3A_143 : memref<10240x128xf32, #tpu.memory_space<hbm>>) dst(%dma_wait3A_137 : memref<128x128xf32, #tpu.memory_space<vmem>>)
      %dma_wait3A_144 = arith.constant 1 : i32
      %dma_wait3A_145 = arith.constant 0 : i32
      %dma_wait3A_146 = tpu.memref_slice %arg8[%dma_wait3A_144, %dma_wait3A_145] : memref<2x128xi32, #tpu.memory_space<vmem>> -> memref<1x128xi32, #tpu.memory_space<vmem>>
      %dma_wait3A_147 = tpu.memref_squeeze %dma_wait3A_146 : memref<1x128xi32, #tpu.memory_space<vmem>> -> memref<128xi32, #tpu.memory_space<vmem>>
      %dma_wait3A_148 = tpu.memref_slice %arg4[%multiple_of3A] : memref<327680xi32, #tpu.memory_space<hbm>> -> memref<128xi32, #tpu.memory_space<hbm>>
      %dma_wait3A_149 = arith.constant 0 : i32
      %dma_wait3A_150 = tpu.memref_slice %arg8[%dma_wait3A_144, %dma_wait3A_149] : memref<2x128xi32, #tpu.memory_space<vmem>> -> memref<1x128xi32, #tpu.memory_space<vmem>>
      %dma_wait3A_151 = tpu.memref_squeeze %dma_wait3A_150 : memref<1x128xi32, #tpu.memory_space<vmem>> -> memref<128xi32, #tpu.memory_space<vmem>>
      %dma_wait3A_152 = tpu.memref_slice %arg4[%multiple_of3A] : memref<327680xi32, #tpu.memory_space<hbm>> -> memref<128xi32, #tpu.memory_space<hbm>>
      tpu.wait_dma2 semaphore(%arg15 : memref<!tpu.dma_semaphore, #tpu.memory_space<semaphore_mem>>) src(%dma_wait3A_152 : memref<128xi32, #tpu.memory_space<hbm>>) dst(%dma_wait3A_151 : memref<128xi32, #tpu.memory_space<vmem>>)
      %run_scoped3A_153 = arith.constant 1 : i32
      %run_scoped3A_154 = arith.constant 1 : i32
      "tpu.region"() ({
        %run_scoped3A_162 = tpu.sem_alloc : memref<!tpu.dma_semaphore, #tpu.memory_space<semaphore_mem>>
        %dma_start3A_163 = arith.constant 0 : i32
        %dma_start3A_164 = arith.constant 0 : i32
        %dma_start3A_165 = tpu.memref_slice %arg9[%run_scoped3A_153, %dma_start3A_163, %dma_start3A_164] : memref<2x128x128xf32, #tpu.memory_space<vmem>> -> memref<1x128x128xf32, #tpu.memory_space<vmem>>
        %dma_start3A_166 = tpu.memref_squeeze %dma_start3A_165 : memref<1x128x128xf32, #tpu.memory_space<vmem>> -> memref<128x128xf32, #tpu.memory_space<vmem>>
        %dma_start3A_167 = arith.constant 0 : i32
        %dma_start3A_168 = tpu.memref_slice %arg8[%run_scoped3A_154, %dma_start3A_167] : memref<2x128xi32, #tpu.memory_space<vmem>> -> memref<1x128xi32, #tpu.memory_space<vmem>>
        %dma_start3A_169 = tpu.memref_squeeze %dma_start3A_168 : memref<1x128xi32, #tpu.memory_space<vmem>> -> memref<128xi32, #tpu.memory_space<vmem>>
        %dma_start3A_170 = arith.constant 0 : i32
        %dma_start3A_171 = arith.constant 0 : i32
        %dma_start3A_172 = tpu.memref_slice %arg11[%dma_start3A_170, %dma_start3A_171] : memref<10240x128xf32, #tpu.memory_space<vmem_shared>> -> memref<10240x128xf32, #tpu.memory_space<vmem_shared>>
        tpu.enqueue_indirect_dma source(%dma_start3A_166 : memref<128x128xf32, #tpu.memory_space<vmem>>) target(%dma_start3A_172 : memref<10240x128xf32, #tpu.memory_space<vmem_shared>>) offsets(%dma_start3A_169 : memref<128xi32, #tpu.memory_space<vmem>>) semaphore(%run_scoped3A_162 : memref<!tpu.dma_semaphore, #tpu.memory_space<semaphore_mem>>) {add = true}
        %dma_wait3A_173 = arith.constant 0 : i32
        %dma_wait3A_174 = arith.constant 0 : i32
        %dma_wait3A_175 = tpu.memref_slice %arg9[%run_scoped3A_153, %dma_wait3A_173, %dma_wait3A_174] : memref<2x128x128xf32, #tpu.memory_space<vmem>> -> memref<1x128x128xf32, #tpu.memory_space<vmem>>
        %dma_wait3A_176 = tpu.memref_squeeze %dma_wait3A_175 : memref<1x128x128xf32, #tpu.memory_space<vmem>> -> memref<128x128xf32, #tpu.memory_space<vmem>>
        %dma_wait3A_177 = arith.constant 0 : i32
        %dma_wait3A_178 = tpu.memref_slice %arg8[%run_scoped3A_154, %dma_wait3A_177] : memref<2x128xi32, #tpu.memory_space<vmem>> -> memref<1x128xi32, #tpu.memory_space<vmem>>
        %dma_wait3A_179 = tpu.memref_squeeze %dma_wait3A_178 : memref<1x128xi32, #tpu.memory_space<vmem>> -> memref<128xi32, #tpu.memory_space<vmem>>
        %dma_wait3A_180 = arith.constant 0 : i32
        %dma_wait3A_181 = arith.constant 0 : i32
        %dma_wait3A_182 = tpu.memref_slice %arg11[%dma_wait3A_180, %dma_wait3A_181] : memref<10240x128xf32, #tpu.memory_space<vmem_shared>> -> memref<10240x128xf32, #tpu.memory_space<vmem_shared>>
        tpu.wait_indirect_dma semaphore(%run_scoped3A_162 : memref<!tpu.dma_semaphore, #tpu.memory_space<semaphore_mem>>) src(%dma_wait3A_176 : memref<128x128xf32, #tpu.memory_space<vmem>>) dst(%dma_wait3A_182 : memref<10240x128xf32, #tpu.memory_space<vmem_shared>>)
        tpu.yield
      }) : () -> ()
      %add3A_155 = arith.constant 1 : i32
      %add3A_156 = arith.addi %add3A_61, %add3A_155 : i32
      %lt3A_157 = arith.constant 40 : i32
      %lt3A_158 = arith.cmpi slt, %add3A_156, %lt3A_157 : i32
      %convert_element_type3A_159 = arith.extui %lt3A_158 : i1 to i32
      %cond3A_160 = arith.constant 0 : i32
      %cond3A_161 = arith.cmpi ne, %convert_element_type3A_159, %cond3A_160 : i32
      scf.if %cond3A_161 {
        %add3A_162 = arith.constant 384 : i32
        %add3A_163 = arith.addi %multiple_of3A, %add3A_162 : i32
        %multiple_of3A_164 = tpu.assume_multiple %add3A_163, 128 : i32
        %dma_start3A_165 = arith.constant 1 : i32
        %dma_start3A_166 = arith.constant 0 : i32
        %dma_start3A_167 = tpu.memref_slice %arg7[%dma_start3A_165, %dma_start3A_166] : memref<2x128xi32, #tpu.memory_space<vmem>> -> memref<1x128xi32, #tpu.memory_space<vmem>>
        %dma_start3A_168 = tpu.memref_squeeze %dma_start3A_167 : memref<1x128xi32, #tpu.memory_space<vmem>> -> memref<128xi32, #tpu.memory_space<vmem>>
        %dma_start3A_169 = tpu.memref_slice %arg3[%multiple_of3A_164] : memref<327680xi32, #tpu.memory_space<hbm>> -> memref<128xi32, #tpu.memory_space<hbm>>
        %dma_start3A_170 = arith.constant 0 : i32
        %dma_start3A_171 = tpu.memref_slice %arg7[%dma_start3A_165, %dma_start3A_170] : memref<2x128xi32, #tpu.memory_space<vmem>> -> memref<1x128xi32, #tpu.memory_space<vmem>>
        %dma_start3A_172 = tpu.memref_squeeze %dma_start3A_171 : memref<1x128xi32, #tpu.memory_space<vmem>> -> memref<128xi32, #tpu.memory_space<vmem>>
        %dma_start3A_173 = tpu.memref_slice %arg3[%multiple_of3A_164] : memref<327680xi32, #tpu.memory_space<hbm>> -> memref<128xi32, #tpu.memory_space<hbm>>
        tpu.enqueue_dma source(%dma_start3A_173 : memref<128xi32, #tpu.memory_space<hbm>>) target(%dma_start3A_172 : memref<128xi32, #tpu.memory_space<vmem>>) target_semaphore(%arg13 : memref<!tpu.dma_semaphore, #tpu.memory_space<semaphore_mem>>)
        %dma_start3A_174 = arith.constant 1 : i32
        %dma_start3A_175 = arith.constant 0 : i32
        %dma_start3A_176 = tpu.memref_slice %arg8[%dma_start3A_174, %dma_start3A_175] : memref<2x128xi32, #tpu.memory_space<vmem>> -> memref<1x128xi32, #tpu.memory_space<vmem>>
        %dma_start3A_177 = tpu.memref_squeeze %dma_start3A_176 : memref<1x128xi32, #tpu.memory_space<vmem>> -> memref<128xi32, #tpu.memory_space<vmem>>
        %dma_start3A_178 = tpu.memref_slice %arg4[%multiple_of3A_164] : memref<327680xi32, #tpu.memory_space<hbm>> -> memref<128xi32, #tpu.memory_space<hbm>>
        %dma_start3A_179 = arith.constant 0 : i32
        %dma_start3A_180 = tpu.memref_slice %arg8[%dma_start3A_174, %dma_start3A_179] : memref<2x128xi32, #tpu.memory_space<vmem>> -> memref<1x128xi32, #tpu.memory_space<vmem>>
        %dma_start3A_181 = tpu.memref_squeeze %dma_start3A_180 : memref<1x128xi32, #tpu.memory_space<vmem>> -> memref<128xi32, #tpu.memory_space<vmem>>
        %dma_start3A_182 = tpu.memref_slice %arg4[%multiple_of3A_164] : memref<327680xi32, #tpu.memory_space<hbm>> -> memref<128xi32, #tpu.memory_space<hbm>>
        tpu.enqueue_dma source(%dma_start3A_182 : memref<128xi32, #tpu.memory_space<hbm>>) target(%dma_start3A_181 : memref<128xi32, #tpu.memory_space<vmem>>) target_semaphore(%arg15 : memref<!tpu.dma_semaphore, #tpu.memory_space<semaphore_mem>>)
      } else {
      }
    }
    %scan3A_52 = arith.constant 40 : i32
    %barrier3A_53 = arith.constant 0 : index
    tpu.barrier barrier_id(%barrier3A_53)
    %mul3A_54 = arith.constant 10240 : i32
    %mul3A_55 = arith.muli %arg0, %mul3A_54 : i32
    %add3A_56 = arith.addi %mul3A_55, %mul3A_4 : i32
    "tpu.region"() ({
      %run_scoped3A = tpu.sem_alloc : memref<!tpu.dma_semaphore, #tpu.memory_space<semaphore_mem>>
      %dma_start3A_57 = arith.constant 0 : i32
      %dma_start3A_58 = tpu.memref_slice %arg6[%add3A_56, %dma_start3A_57] : memref<20480x128xf32, #tpu.memory_space<hbm>> -> memref<640x128xf32, #tpu.memory_space<hbm>>
      %dma_start3A_59 = arith.constant 0 : i32
      %dma_start3A_60 = tpu.memref_slice %arg11[%mul3A_4, %dma_start3A_59] : memref<10240x128xf32, #tpu.memory_space<vmem_shared>> -> memref<640x128xf32, #tpu.memory_space<vmem_shared>>
      tpu.enqueue_dma source(%dma_start3A_60 : memref<640x128xf32, #tpu.memory_space<vmem_shared>>) target(%dma_start3A_58 : memref<640x128xf32, #tpu.memory_space<hbm>>) target_semaphore(%run_scoped3A : memref<!tpu.dma_semaphore, #tpu.memory_space<semaphore_mem>>)
      %dma_wait3A = arith.constant 0 : i32
      %dma_wait3A_61 = tpu.memref_slice %arg6[%add3A_56, %dma_wait3A] : memref<20480x128xf32, #tpu.memory_space<hbm>> -> memref<640x128xf32, #tpu.memory_space<hbm>>
      %dma_wait3A_62 = arith.constant 0 : i32
      %dma_wait3A_63 = tpu.memref_slice %arg11[%mul3A_4, %dma_wait3A_62] : memref<10240x128xf32, #tpu.memory_space<vmem_shared>> -> memref<640x128xf32, #tpu.memory_space<vmem_shared>>
      tpu.wait_dma2 semaphore(%run_scoped3A : memref<!tpu.dma_semaphore, #tpu.memory_space<semaphore_mem>>) src(%dma_wait3A_63 : memref<640x128xf32, #tpu.memory_space<vmem_shared>>) dst(%dma_wait3A_61 : memref<640x128xf32, #tpu.memory_space<hbm>>)
      tpu.yield
    }) : () -> ()
    return
  }
}

#map = affine_map<(d0, d1) -> (0)>
#map1 = affine_map<(d0, d1) -> (0, 0)>
module attributes {stable_mosaic.version = 14 : i64} {
  func.func @_deg_body(%arg0: i32, %arg1: i32, %arg2: memref<327680xi32, #tpu.memory_space<hbm>>, %arg3: memref<64x128xf32, #tpu.memory_space<hbm>>, %arg4: memref<128x128xf32, #tpu.memory_space<hbm>>, %arg5: memref<20480x128xf32, #tpu.memory_space<hbm>>, %arg6: memref<2x128xi32, #tpu.memory_space<vmem>>, %arg7: memref<1x128x128xf32, #tpu.memory_space<vmem>>, %arg8: memref<64x128xf32, #tpu.memory_space<vmem>>, %arg9: memref<10240x128xf32, #tpu.memory_space<vmem_shared>>, %arg10: memref<!tpu.dma_semaphore, #tpu.memory_space<semaphore_mem>>, %arg11: memref<!tpu.dma_semaphore, #tpu.memory_space<semaphore_mem>>) attributes {dimension_semantics = [#tpu.dimension_semantics<core_parallel>, #tpu.dimension_semantics<subcore_parallel>], iteration_bounds = array<i64: 2, 16>, scalar_prefetch = 0 : i64, scratch_operands = 6 : i64, tpu.core_type = #tpu.core_type<sc_vector_subcore>, window_params = [{transform_indices = #map}, {transform_indices = #map1}, {transform_indices = #map1}, {transform_indices = #map1}]} {
    %mul3A = arith.constant 16 : i32
    %mul3A_0 = arith.muli %arg0, %mul3A : i32
    %add3A = arith.addi %mul3A_0, %arg1 : i32
    %mul3A_1 = arith.constant 10240 : i32
    %mul3A_2 = arith.muli %add3A, %mul3A_1 : i32
    %mul3A_3 = arith.constant 640 : i32
    %mul3A_4 = arith.muli %arg1, %mul3A_3 : i32
    "tpu.region"() ({
      %run_scoped3A_37 = tpu.sem_alloc : memref<!tpu.dma_semaphore, #tpu.memory_space<semaphore_mem>>
      tpu.enqueue_dma source(%arg3 : memref<64x128xf32, #tpu.memory_space<hbm>>) target(%arg8 : memref<64x128xf32, #tpu.memory_space<vmem>>) target_semaphore(%run_scoped3A_37 : memref<!tpu.dma_semaphore, #tpu.memory_space<semaphore_mem>>)
      tpu.wait_dma2 semaphore(%run_scoped3A_37 : memref<!tpu.dma_semaphore, #tpu.memory_space<semaphore_mem>>) src(%arg3 : memref<64x128xf32, #tpu.memory_space<hbm>>) dst(%arg8 : memref<64x128xf32, #tpu.memory_space<vmem>>)
      tpu.yield
    }) : () -> ()
    %run_scoped3A = arith.constant 0 : i32
    "tpu.region"() ({
      %run_scoped3A_37 = tpu.sem_alloc : memref<!tpu.dma_semaphore, #tpu.memory_space<semaphore_mem>>
      %dma_start3A_38 = arith.constant 0 : i32
      %dma_start3A_39 = arith.constant 0 : i32
      %dma_start3A_40 = tpu.memref_slice %arg7[%run_scoped3A, %dma_start3A_38, %dma_start3A_39] : memref<1x128x128xf32, #tpu.memory_space<vmem>> -> memref<1x128x128xf32, #tpu.memory_space<vmem>>
      %dma_start3A_41 = tpu.memref_squeeze %dma_start3A_40 : memref<1x128x128xf32, #tpu.memory_space<vmem>> -> memref<128x128xf32, #tpu.memory_space<vmem>>
      %dma_start3A_42 = arith.constant 0 : i32
      %dma_start3A_43 = arith.constant 0 : i32
      %dma_start3A_44 = tpu.memref_slice %arg7[%run_scoped3A, %dma_start3A_42, %dma_start3A_43] : memref<1x128x128xf32, #tpu.memory_space<vmem>> -> memref<1x128x128xf32, #tpu.memory_space<vmem>>
      %dma_start3A_45 = tpu.memref_squeeze %dma_start3A_44 : memref<1x128x128xf32, #tpu.memory_space<vmem>> -> memref<128x128xf32, #tpu.memory_space<vmem>>
      tpu.enqueue_dma source(%arg4 : memref<128x128xf32, #tpu.memory_space<hbm>>) target(%dma_start3A_45 : memref<128x128xf32, #tpu.memory_space<vmem>>) target_semaphore(%run_scoped3A_37 : memref<!tpu.dma_semaphore, #tpu.memory_space<semaphore_mem>>)
      %dma_wait3A = arith.constant 0 : i32
      %dma_wait3A_46 = arith.constant 0 : i32
      %dma_wait3A_47 = tpu.memref_slice %arg7[%run_scoped3A, %dma_wait3A, %dma_wait3A_46] : memref<1x128x128xf32, #tpu.memory_space<vmem>> -> memref<1x128x128xf32, #tpu.memory_space<vmem>>
      %dma_wait3A_48 = tpu.memref_squeeze %dma_wait3A_47 : memref<1x128x128xf32, #tpu.memory_space<vmem>> -> memref<128x128xf32, #tpu.memory_space<vmem>>
      %dma_wait3A_49 = arith.constant 0 : i32
      %dma_wait3A_50 = arith.constant 0 : i32
      %dma_wait3A_51 = tpu.memref_slice %arg7[%run_scoped3A, %dma_wait3A_49, %dma_wait3A_50] : memref<1x128x128xf32, #tpu.memory_space<vmem>> -> memref<1x128x128xf32, #tpu.memory_space<vmem>>
      %dma_wait3A_52 = tpu.memref_squeeze %dma_wait3A_51 : memref<1x128x128xf32, #tpu.memory_space<vmem>> -> memref<128x128xf32, #tpu.memory_space<vmem>>
      tpu.wait_dma2 semaphore(%run_scoped3A_37 : memref<!tpu.dma_semaphore, #tpu.memory_space<semaphore_mem>>) src(%arg4 : memref<128x128xf32, #tpu.memory_space<hbm>>) dst(%dma_wait3A_52 : memref<128x128xf32, #tpu.memory_space<vmem>>)
      tpu.yield
    }) : () -> ()
    %scan3A = arith.constant 0 : i32
    %scan3A_5 = arith.constant 10 : i32
    %scan3A_6 = arith.addi %scan3A, %scan3A_5 : i32
    %scan3A_7 = arith.constant 1 : i32
    scf.for %scan3A_37 = %scan3A to %scan3A_6 step %scan3A_7  : i32 {
      %mul3A_38 = arith.constant 1 : i32
      %mul3A_39 = arith.muli %scan3A_37, %mul3A_38 : i32
      %add3A_40 = arith.constant 0 : i32
      %add3A_41 = arith.addi %add3A_40, %mul3A_39 : i32
      %mul3A_42 = arith.constant 64 : i32
      %mul3A_43 = arith.muli %add3A_41, %mul3A_42 : i32
      %add3A_44 = arith.addi %mul3A_4, %mul3A_43 : i32
      %multiple_of3A = tpu.assume_multiple %add3A_44, 64 : i32
      "tpu.region"() ({
        %run_scoped3A_45 = tpu.sem_alloc : memref<!tpu.dma_semaphore, #tpu.memory_space<semaphore_mem>>
        %dma_start3A_46 = arith.constant 0 : i32
        %dma_start3A_47 = tpu.memref_slice %arg9[%multiple_of3A, %dma_start3A_46] : memref<10240x128xf32, #tpu.memory_space<vmem_shared>> -> memref<64x128xf32, #tpu.memory_space<vmem_shared>>
        %dma_start3A_48 = arith.constant 0 : i32
        %dma_start3A_49 = tpu.memref_slice %arg9[%multiple_of3A, %dma_start3A_48] : memref<10240x128xf32, #tpu.memory_space<vmem_shared>> -> memref<64x128xf32, #tpu.memory_space<vmem_shared>>
        tpu.enqueue_dma source(%arg8 : memref<64x128xf32, #tpu.memory_space<vmem>>) target(%dma_start3A_49 : memref<64x128xf32, #tpu.memory_space<vmem_shared>>) target_semaphore(%run_scoped3A_45 : memref<!tpu.dma_semaphore, #tpu.memory_space<semaphore_mem>>)
        %dma_wait3A = arith.constant 0 : i32
        %dma_wait3A_50 = tpu.memref_slice %arg9[%multiple_of3A, %dma_wait3A] : memref<10240x128xf32, #tpu.memory_space<vmem_shared>> -> memref<64x128xf32, #tpu.memory_space<vmem_shared>>
        %dma_wait3A_51 = arith.constant 0 : i32
        %dma_wait3A_52 = tpu.memref_slice %arg9[%multiple_of3A, %dma_wait3A_51] : memref<10240x128xf32, #tpu.memory_space<vmem_shared>> -> memref<64x128xf32, #tpu.memory_space<vmem_shared>>
        tpu.wait_dma2 semaphore(%run_scoped3A_45 : memref<!tpu.dma_semaphore, #tpu.memory_space<semaphore_mem>>) src(%arg8 : memref<64x128xf32, #tpu.memory_space<vmem>>) dst(%dma_wait3A_52 : memref<64x128xf32, #tpu.memory_space<vmem_shared>>)
        tpu.yield
      }) : () -> ()
    }
    %scan3A_8 = arith.constant 10 : i32
    %barrier3A = arith.constant 0 : index
    tpu.barrier barrier_id(%barrier3A)
    %dma_start3A = arith.constant 0 : i32
    %dma_start3A_9 = arith.constant 0 : i32
    %dma_start3A_10 = tpu.memref_slice %arg6[%dma_start3A, %dma_start3A_9] : memref<2x128xi32, #tpu.memory_space<vmem>> -> memref<1x128xi32, #tpu.memory_space<vmem>>
    %dma_start3A_11 = tpu.memref_squeeze %dma_start3A_10 : memref<1x128xi32, #tpu.memory_space<vmem>> -> memref<128xi32, #tpu.memory_space<vmem>>
    %dma_start3A_12 = tpu.memref_slice %arg2[%mul3A_2] : memref<327680xi32, #tpu.memory_space<hbm>> -> memref<128xi32, #tpu.memory_space<hbm>>
    %dma_start3A_13 = arith.constant 0 : i32
    %dma_start3A_14 = tpu.memref_slice %arg6[%dma_start3A, %dma_start3A_13] : memref<2x128xi32, #tpu.memory_space<vmem>> -> memref<1x128xi32, #tpu.memory_space<vmem>>
    %dma_start3A_15 = tpu.memref_squeeze %dma_start3A_14 : memref<1x128xi32, #tpu.memory_space<vmem>> -> memref<128xi32, #tpu.memory_space<vmem>>
    %dma_start3A_16 = tpu.memref_slice %arg2[%mul3A_2] : memref<327680xi32, #tpu.memory_space<hbm>> -> memref<128xi32, #tpu.memory_space<hbm>>
    tpu.enqueue_dma source(%dma_start3A_16 : memref<128xi32, #tpu.memory_space<hbm>>) target(%dma_start3A_15 : memref<128xi32, #tpu.memory_space<vmem>>) target_semaphore(%arg10 : memref<!tpu.dma_semaphore, #tpu.memory_space<semaphore_mem>>)
    %add3A_17 = arith.constant 128 : i32
    %add3A_18 = arith.addi %mul3A_2, %add3A_17 : i32
    %dma_start3A_19 = arith.constant 1 : i32
    %dma_start3A_20 = arith.constant 0 : i32
    %dma_start3A_21 = tpu.memref_slice %arg6[%dma_start3A_19, %dma_start3A_20] : memref<2x128xi32, #tpu.memory_space<vmem>> -> memref<1x128xi32, #tpu.memory_space<vmem>>
    %dma_start3A_22 = tpu.memref_squeeze %dma_start3A_21 : memref<1x128xi32, #tpu.memory_space<vmem>> -> memref<128xi32, #tpu.memory_space<vmem>>
    %dma_start3A_23 = tpu.memref_slice %arg2[%add3A_18] : memref<327680xi32, #tpu.memory_space<hbm>> -> memref<128xi32, #tpu.memory_space<hbm>>
    %dma_start3A_24 = arith.constant 0 : i32
    %dma_start3A_25 = tpu.memref_slice %arg6[%dma_start3A_19, %dma_start3A_24] : memref<2x128xi32, #tpu.memory_space<vmem>> -> memref<1x128xi32, #tpu.memory_space<vmem>>
    %dma_start3A_26 = tpu.memref_squeeze %dma_start3A_25 : memref<1x128xi32, #tpu.memory_space<vmem>> -> memref<128xi32, #tpu.memory_space<vmem>>
    %dma_start3A_27 = tpu.memref_slice %arg2[%add3A_18] : memref<327680xi32, #tpu.memory_space<hbm>> -> memref<128xi32, #tpu.memory_space<hbm>>
    tpu.enqueue_dma source(%dma_start3A_27 : memref<128xi32, #tpu.memory_space<hbm>>) target(%dma_start3A_26 : memref<128xi32, #tpu.memory_space<vmem>>) target_semaphore(%arg11 : memref<!tpu.dma_semaphore, #tpu.memory_space<semaphore_mem>>)
    %scan3A_28 = arith.constant 0 : i32
    %scan3A_29 = arith.constant 40 : i32
    %scan3A_30 = arith.addi %scan3A_28, %scan3A_29 : i32
    %scan3A_31 = arith.constant 1 : i32
    scf.for %scan3A_37 = %scan3A_28 to %scan3A_30 step %scan3A_31  : i32 {
      %mul3A_38 = arith.constant 1 : i32
      %mul3A_39 = arith.muli %scan3A_37, %mul3A_38 : i32
      %add3A_40 = arith.constant 0 : i32
      %add3A_41 = arith.addi %add3A_40, %mul3A_39 : i32
      %mul3A_42 = arith.constant 256 : i32
      %mul3A_43 = arith.muli %add3A_41, %mul3A_42 : i32
      %add3A_44 = arith.addi %mul3A_2, %mul3A_43 : i32
      %multiple_of3A = tpu.assume_multiple %add3A_44, 128 : i32
      %dma_wait3A = arith.constant 0 : i32
      %dma_wait3A_45 = arith.constant 0 : i32
      %dma_wait3A_46 = tpu.memref_slice %arg6[%dma_wait3A, %dma_wait3A_45] : memref<2x128xi32, #tpu.memory_space<vmem>> -> memref<1x128xi32, #tpu.memory_space<vmem>>
      %dma_wait3A_47 = tpu.memref_squeeze %dma_wait3A_46 : memref<1x128xi32, #tpu.memory_space<vmem>> -> memref<128xi32, #tpu.memory_space<vmem>>
      %dma_wait3A_48 = tpu.memref_slice %arg2[%multiple_of3A] : memref<327680xi32, #tpu.memory_space<hbm>> -> memref<128xi32, #tpu.memory_space<hbm>>
      %dma_wait3A_49 = arith.constant 0 : i32
      %dma_wait3A_50 = tpu.memref_slice %arg6[%dma_wait3A, %dma_wait3A_49] : memref<2x128xi32, #tpu.memory_space<vmem>> -> memref<1x128xi32, #tpu.memory_space<vmem>>
      %dma_wait3A_51 = tpu.memref_squeeze %dma_wait3A_50 : memref<1x128xi32, #tpu.memory_space<vmem>> -> memref<128xi32, #tpu.memory_space<vmem>>
      %dma_wait3A_52 = tpu.memref_slice %arg2[%multiple_of3A] : memref<327680xi32, #tpu.memory_space<hbm>> -> memref<128xi32, #tpu.memory_space<hbm>>
      tpu.wait_dma2 semaphore(%arg10 : memref<!tpu.dma_semaphore, #tpu.memory_space<semaphore_mem>>) src(%dma_wait3A_52 : memref<128xi32, #tpu.memory_space<hbm>>) dst(%dma_wait3A_51 : memref<128xi32, #tpu.memory_space<vmem>>)
      %run_scoped3A_53 = arith.constant 0 : i32
      %run_scoped3A_54 = arith.constant 0 : i32
      "tpu.region"() ({
        %run_scoped3A_77 = tpu.sem_alloc : memref<!tpu.dma_semaphore, #tpu.memory_space<semaphore_mem>>
        %dma_start3A_78 = arith.constant 0 : i32
        %dma_start3A_79 = arith.constant 0 : i32
        %dma_start3A_80 = tpu.memref_slice %arg7[%run_scoped3A_53, %dma_start3A_78, %dma_start3A_79] : memref<1x128x128xf32, #tpu.memory_space<vmem>> -> memref<1x128x128xf32, #tpu.memory_space<vmem>>
        %dma_start3A_81 = tpu.memref_squeeze %dma_start3A_80 : memref<1x128x128xf32, #tpu.memory_space<vmem>> -> memref<128x128xf32, #tpu.memory_space<vmem>>
        %dma_start3A_82 = arith.constant 0 : i32
        %dma_start3A_83 = tpu.memref_slice %arg6[%run_scoped3A_54, %dma_start3A_82] : memref<2x128xi32, #tpu.memory_space<vmem>> -> memref<1x128xi32, #tpu.memory_space<vmem>>
        %dma_start3A_84 = tpu.memref_squeeze %dma_start3A_83 : memref<1x128xi32, #tpu.memory_space<vmem>> -> memref<128xi32, #tpu.memory_space<vmem>>
        %dma_start3A_85 = arith.constant 0 : i32
        %dma_start3A_86 = arith.constant 0 : i32
        %dma_start3A_87 = tpu.memref_slice %arg9[%dma_start3A_85, %dma_start3A_86] : memref<10240x128xf32, #tpu.memory_space<vmem_shared>> -> memref<10240x128xf32, #tpu.memory_space<vmem_shared>>
        tpu.enqueue_indirect_dma source(%dma_start3A_81 : memref<128x128xf32, #tpu.memory_space<vmem>>) target(%dma_start3A_87 : memref<10240x128xf32, #tpu.memory_space<vmem_shared>>) offsets(%dma_start3A_84 : memref<128xi32, #tpu.memory_space<vmem>>) semaphore(%run_scoped3A_77 : memref<!tpu.dma_semaphore, #tpu.memory_space<semaphore_mem>>) {add = true}
        %dma_wait3A_88 = arith.constant 0 : i32
        %dma_wait3A_89 = arith.constant 0 : i32
        %dma_wait3A_90 = tpu.memref_slice %arg7[%run_scoped3A_53, %dma_wait3A_88, %dma_wait3A_89] : memref<1x128x128xf32, #tpu.memory_space<vmem>> -> memref<1x128x128xf32, #tpu.memory_space<vmem>>
        %dma_wait3A_91 = tpu.memref_squeeze %dma_wait3A_90 : memref<1x128x128xf32, #tpu.memory_space<vmem>> -> memref<128x128xf32, #tpu.memory_space<vmem>>
        %dma_wait3A_92 = arith.constant 0 : i32
        %dma_wait3A_93 = tpu.memref_slice %arg6[%run_scoped3A_54, %dma_wait3A_92] : memref<2x128xi32, #tpu.memory_space<vmem>> -> memref<1x128xi32, #tpu.memory_space<vmem>>
        %dma_wait3A_94 = tpu.memref_squeeze %dma_wait3A_93 : memref<1x128xi32, #tpu.memory_space<vmem>> -> memref<128xi32, #tpu.memory_space<vmem>>
        %dma_wait3A_95 = arith.constant 0 : i32
        %dma_wait3A_96 = arith.constant 0 : i32
        %dma_wait3A_97 = tpu.memref_slice %arg9[%dma_wait3A_95, %dma_wait3A_96] : memref<10240x128xf32, #tpu.memory_space<vmem_shared>> -> memref<10240x128xf32, #tpu.memory_space<vmem_shared>>
        tpu.wait_indirect_dma semaphore(%run_scoped3A_77 : memref<!tpu.dma_semaphore, #tpu.memory_space<semaphore_mem>>) src(%dma_wait3A_91 : memref<128x128xf32, #tpu.memory_space<vmem>>) dst(%dma_wait3A_97 : memref<10240x128xf32, #tpu.memory_space<vmem_shared>>)
        tpu.yield
      }) : () -> ()
      %add3A_55 = arith.constant 1 : i32
      %add3A_56 = arith.addi %add3A_41, %add3A_55 : i32
      %lt3A = arith.constant 40 : i32
      %lt3A_57 = arith.cmpi slt, %add3A_56, %lt3A : i32
      %convert_element_type3A = arith.extui %lt3A_57 : i1 to i32
      %cond3A = arith.constant 0 : i32
      %cond3A_58 = arith.cmpi ne, %convert_element_type3A, %cond3A : i32
      scf.if %cond3A_58 {
        %add3A_77 = arith.constant 256 : i32
        %add3A_78 = arith.addi %multiple_of3A, %add3A_77 : i32
        %multiple_of3A_79 = tpu.assume_multiple %add3A_78, 128 : i32
        %dma_start3A_80 = arith.constant 0 : i32
        %dma_start3A_81 = arith.constant 0 : i32
        %dma_start3A_82 = tpu.memref_slice %arg6[%dma_start3A_80, %dma_start3A_81] : memref<2x128xi32, #tpu.memory_space<vmem>> -> memref<1x128xi32, #tpu.memory_space<vmem>>
        %dma_start3A_83 = tpu.memref_squeeze %dma_start3A_82 : memref<1x128xi32, #tpu.memory_space<vmem>> -> memref<128xi32, #tpu.memory_space<vmem>>
        %dma_start3A_84 = tpu.memref_slice %arg2[%multiple_of3A_79] : memref<327680xi32, #tpu.memory_space<hbm>> -> memref<128xi32, #tpu.memory_space<hbm>>
        %dma_start3A_85 = arith.constant 0 : i32
        %dma_start3A_86 = tpu.memref_slice %arg6[%dma_start3A_80, %dma_start3A_85] : memref<2x128xi32, #tpu.memory_space<vmem>> -> memref<1x128xi32, #tpu.memory_space<vmem>>
        %dma_start3A_87 = tpu.memref_squeeze %dma_start3A_86 : memref<1x128xi32, #tpu.memory_space<vmem>> -> memref<128xi32, #tpu.memory_space<vmem>>
        %dma_start3A_88 = tpu.memref_slice %arg2[%multiple_of3A_79] : memref<327680xi32, #tpu.memory_space<hbm>> -> memref<128xi32, #tpu.memory_space<hbm>>
        tpu.enqueue_dma source(%dma_start3A_88 : memref<128xi32, #tpu.memory_space<hbm>>) target(%dma_start3A_87 : memref<128xi32, #tpu.memory_space<vmem>>) target_semaphore(%arg10 : memref<!tpu.dma_semaphore, #tpu.memory_space<semaphore_mem>>)
      } else {
      }
      %dma_wait3A_59 = arith.constant 1 : i32
      %dma_wait3A_60 = arith.constant 0 : i32
      %dma_wait3A_61 = tpu.memref_slice %arg6[%dma_wait3A_59, %dma_wait3A_60] : memref<2x128xi32, #tpu.memory_space<vmem>> -> memref<1x128xi32, #tpu.memory_space<vmem>>
      %dma_wait3A_62 = tpu.memref_squeeze %dma_wait3A_61 : memref<1x128xi32, #tpu.memory_space<vmem>> -> memref<128xi32, #tpu.memory_space<vmem>>
      %dma_wait3A_63 = tpu.memref_slice %arg2[%multiple_of3A] : memref<327680xi32, #tpu.memory_space<hbm>> -> memref<128xi32, #tpu.memory_space<hbm>>
      %dma_wait3A_64 = arith.constant 0 : i32
      %dma_wait3A_65 = tpu.memref_slice %arg6[%dma_wait3A_59, %dma_wait3A_64] : memref<2x128xi32, #tpu.memory_space<vmem>> -> memref<1x128xi32, #tpu.memory_space<vmem>>
      %dma_wait3A_66 = tpu.memref_squeeze %dma_wait3A_65 : memref<1x128xi32, #tpu.memory_space<vmem>> -> memref<128xi32, #tpu.memory_space<vmem>>
      %dma_wait3A_67 = tpu.memref_slice %arg2[%multiple_of3A] : memref<327680xi32, #tpu.memory_space<hbm>> -> memref<128xi32, #tpu.memory_space<hbm>>
      tpu.wait_dma2 semaphore(%arg11 : memref<!tpu.dma_semaphore, #tpu.memory_space<semaphore_mem>>) src(%dma_wait3A_67 : memref<128xi32, #tpu.memory_space<hbm>>) dst(%dma_wait3A_66 : memref<128xi32, #tpu.memory_space<vmem>>)
      %run_scoped3A_68 = arith.constant 0 : i32
      %run_scoped3A_69 = arith.constant 1 : i32
      "tpu.region"() ({
        %run_scoped3A_77 = tpu.sem_alloc : memref<!tpu.dma_semaphore, #tpu.memory_space<semaphore_mem>>
        %dma_start3A_78 = arith.constant 0 : i32
        %dma_start3A_79 = arith.constant 0 : i32
        %dma_start3A_80 = tpu.memref_slice %arg7[%run_scoped3A_68, %dma_start3A_78, %dma_start3A_79] : memref<1x128x128xf32, #tpu.memory_space<vmem>> -> memref<1x128x128xf32, #tpu.memory_space<vmem>>
        %dma_start3A_81 = tpu.memref_squeeze %dma_start3A_80 : memref<1x128x128xf32, #tpu.memory_space<vmem>> -> memref<128x128xf32, #tpu.memory_space<vmem>>
        %dma_start3A_82 = arith.constant 0 : i32
        %dma_start3A_83 = tpu.memref_slice %arg6[%run_scoped3A_69, %dma_start3A_82] : memref<2x128xi32, #tpu.memory_space<vmem>> -> memref<1x128xi32, #tpu.memory_space<vmem>>
        %dma_start3A_84 = tpu.memref_squeeze %dma_start3A_83 : memref<1x128xi32, #tpu.memory_space<vmem>> -> memref<128xi32, #tpu.memory_space<vmem>>
        %dma_start3A_85 = arith.constant 0 : i32
        %dma_start3A_86 = arith.constant 0 : i32
        %dma_start3A_87 = tpu.memref_slice %arg9[%dma_start3A_85, %dma_start3A_86] : memref<10240x128xf32, #tpu.memory_space<vmem_shared>> -> memref<10240x128xf32, #tpu.memory_space<vmem_shared>>
        tpu.enqueue_indirect_dma source(%dma_start3A_81 : memref<128x128xf32, #tpu.memory_space<vmem>>) target(%dma_start3A_87 : memref<10240x128xf32, #tpu.memory_space<vmem_shared>>) offsets(%dma_start3A_84 : memref<128xi32, #tpu.memory_space<vmem>>) semaphore(%run_scoped3A_77 : memref<!tpu.dma_semaphore, #tpu.memory_space<semaphore_mem>>) {add = true}
        %dma_wait3A_88 = arith.constant 0 : i32
        %dma_wait3A_89 = arith.constant 0 : i32
        %dma_wait3A_90 = tpu.memref_slice %arg7[%run_scoped3A_68, %dma_wait3A_88, %dma_wait3A_89] : memref<1x128x128xf32, #tpu.memory_space<vmem>> -> memref<1x128x128xf32, #tpu.memory_space<vmem>>
        %dma_wait3A_91 = tpu.memref_squeeze %dma_wait3A_90 : memref<1x128x128xf32, #tpu.memory_space<vmem>> -> memref<128x128xf32, #tpu.memory_space<vmem>>
        %dma_wait3A_92 = arith.constant 0 : i32
        %dma_wait3A_93 = tpu.memref_slice %arg6[%run_scoped3A_69, %dma_wait3A_92] : memref<2x128xi32, #tpu.memory_space<vmem>> -> memref<1x128xi32, #tpu.memory_space<vmem>>
        %dma_wait3A_94 = tpu.memref_squeeze %dma_wait3A_93 : memref<1x128xi32, #tpu.memory_space<vmem>> -> memref<128xi32, #tpu.memory_space<vmem>>
        %dma_wait3A_95 = arith.constant 0 : i32
        %dma_wait3A_96 = arith.constant 0 : i32
        %dma_wait3A_97 = tpu.memref_slice %arg9[%dma_wait3A_95, %dma_wait3A_96] : memref<10240x128xf32, #tpu.memory_space<vmem_shared>> -> memref<10240x128xf32, #tpu.memory_space<vmem_shared>>
        tpu.wait_indirect_dma semaphore(%run_scoped3A_77 : memref<!tpu.dma_semaphore, #tpu.memory_space<semaphore_mem>>) src(%dma_wait3A_91 : memref<128x128xf32, #tpu.memory_space<vmem>>) dst(%dma_wait3A_97 : memref<10240x128xf32, #tpu.memory_space<vmem_shared>>)
        tpu.yield
      }) : () -> ()
      %add3A_70 = arith.constant 1 : i32
      %add3A_71 = arith.addi %add3A_41, %add3A_70 : i32
      %lt3A_72 = arith.constant 40 : i32
      %lt3A_73 = arith.cmpi slt, %add3A_71, %lt3A_72 : i32
      %convert_element_type3A_74 = arith.extui %lt3A_73 : i1 to i32
      %cond3A_75 = arith.constant 0 : i32
      %cond3A_76 = arith.cmpi ne, %convert_element_type3A_74, %cond3A_75 : i32
      scf.if %cond3A_76 {
        %add3A_77 = arith.constant 384 : i32
        %add3A_78 = arith.addi %multiple_of3A, %add3A_77 : i32
        %multiple_of3A_79 = tpu.assume_multiple %add3A_78, 128 : i32
        %dma_start3A_80 = arith.constant 1 : i32
        %dma_start3A_81 = arith.constant 0 : i32
        %dma_start3A_82 = tpu.memref_slice %arg6[%dma_start3A_80, %dma_start3A_81] : memref<2x128xi32, #tpu.memory_space<vmem>> -> memref<1x128xi32, #tpu.memory_space<vmem>>
        %dma_start3A_83 = tpu.memref_squeeze %dma_start3A_82 : memref<1x128xi32, #tpu.memory_space<vmem>> -> memref<128xi32, #tpu.memory_space<vmem>>
        %dma_start3A_84 = tpu.memref_slice %arg2[%multiple_of3A_79] : memref<327680xi32, #tpu.memory_space<hbm>> -> memref<128xi32, #tpu.memory_space<hbm>>
        %dma_start3A_85 = arith.constant 0 : i32
        %dma_start3A_86 = tpu.memref_slice %arg6[%dma_start3A_80, %dma_start3A_85] : memref<2x128xi32, #tpu.memory_space<vmem>> -> memref<1x128xi32, #tpu.memory_space<vmem>>
        %dma_start3A_87 = tpu.memref_squeeze %dma_start3A_86 : memref<1x128xi32, #tpu.memory_space<vmem>> -> memref<128xi32, #tpu.memory_space<vmem>>
        %dma_start3A_88 = tpu.memref_slice %arg2[%multiple_of3A_79] : memref<327680xi32, #tpu.memory_space<hbm>> -> memref<128xi32, #tpu.memory_space<hbm>>
        tpu.enqueue_dma source(%dma_start3A_88 : memref<128xi32, #tpu.memory_space<hbm>>) target(%dma_start3A_87 : memref<128xi32, #tpu.memory_space<vmem>>) target_semaphore(%arg11 : memref<!tpu.dma_semaphore, #tpu.memory_space<semaphore_mem>>)
      } else {
      }
    }
    %scan3A_32 = arith.constant 40 : i32
    %barrier3A_33 = arith.constant 0 : index
    tpu.barrier barrier_id(%barrier3A_33)
    %mul3A_34 = arith.constant 10240 : i32
    %mul3A_35 = arith.muli %arg0, %mul3A_34 : i32
    %add3A_36 = arith.addi %mul3A_35, %mul3A_4 : i32
    "tpu.region"() ({
      %run_scoped3A_37 = tpu.sem_alloc : memref<!tpu.dma_semaphore, #tpu.memory_space<semaphore_mem>>
      %dma_start3A_38 = arith.constant 0 : i32
      %dma_start3A_39 = tpu.memref_slice %arg5[%add3A_36, %dma_start3A_38] : memref<20480x128xf32, #tpu.memory_space<hbm>> -> memref<640x128xf32, #tpu.memory_space<hbm>>
      %dma_start3A_40 = arith.constant 0 : i32
      %dma_start3A_41 = tpu.memref_slice %arg9[%mul3A_4, %dma_start3A_40] : memref<10240x128xf32, #tpu.memory_space<vmem_shared>> -> memref<640x128xf32, #tpu.memory_space<vmem_shared>>
      tpu.enqueue_dma source(%dma_start3A_41 : memref<640x128xf32, #tpu.memory_space<vmem_shared>>) target(%dma_start3A_39 : memref<640x128xf32, #tpu.memory_space<hbm>>) target_semaphore(%run_scoped3A_37 : memref<!tpu.dma_semaphore, #tpu.memory_space<semaphore_mem>>)
      %dma_wait3A = arith.constant 0 : i32
      %dma_wait3A_42 = tpu.memref_slice %arg5[%add3A_36, %dma_wait3A] : memref<20480x128xf32, #tpu.memory_space<hbm>> -> memref<640x128xf32, #tpu.memory_space<hbm>>
      %dma_wait3A_43 = arith.constant 0 : i32
      %dma_wait3A_44 = tpu.memref_slice %arg9[%mul3A_4, %dma_wait3A_43] : memref<10240x128xf32, #tpu.memory_space<vmem_shared>> -> memref<640x128xf32, #tpu.memory_space<vmem_shared>>
      tpu.wait_dma2 semaphore(%run_scoped3A_37 : memref<!tpu.dma_semaphore, #tpu.memory_space<semaphore_mem>>) src(%dma_wait3A_44 : memref<640x128xf32, #tpu.memory_space<vmem_shared>>) dst(%dma_wait3A_42 : memref<640x128xf32, #tpu.memory_space<hbm>>)
      tpu.yield
    }) : () -> ()
    return
  }
}

#map = affine_map<(d0, d1) -> (0, 0)>
#map1 = affine_map<(d0, d1) -> (0)>
module attributes {stable_mosaic.version = 14 : i64} {
  func.func @_agg_body(%arg0: i32, %arg1: i32, %arg2: memref<10240x128xf32, #tpu.memory_space<hbm>>, %arg3: memref<327680xi32, #tpu.memory_space<hbm>>, %arg4: memref<327680xi32, #tpu.memory_space<hbm>>, %arg5: memref<64x128xf32, #tpu.memory_space<hbm>>, %arg6: memref<20480x128xf32, #tpu.memory_space<hbm>>, %arg7: memref<2x128xi32, #tpu.memory_space<vmem>>, %arg8: memref<2x128xi32, #tpu.memory_space<vmem>>, %arg9: memref<2x128x128xf32, #tpu.memory_space<vmem>>, %arg10: memref<64x128xf32, #tpu.memory_space<vmem>>, %arg11: memref<10240x128xf32, #tpu.memory_space<vmem_shared>>, %arg12: memref<!tpu.dma_semaphore, #tpu.memory_space<semaphore_mem>>, %arg13: memref<!tpu.dma_semaphore, #tpu.memory_space<semaphore_mem>>, %arg14: memref<!tpu.dma_semaphore, #tpu.memory_space<semaphore_mem>>, %arg15: memref<!tpu.dma_semaphore, #tpu.memory_space<semaphore_mem>>, %arg16: memref<!tpu.dma_semaphore, #tpu.memory_space<semaphore_mem>>, %arg17: memref<!tpu.dma_semaphore, #tpu.memory_space<semaphore_mem>>) attributes {dimension_semantics = [#tpu.dimension_semantics<core_parallel>, #tpu.dimension_semantics<subcore_parallel>], iteration_bounds = array<i64: 2, 16>, scalar_prefetch = 0 : i64, scratch_operands = 11 : i64, tpu.core_type = #tpu.core_type<sc_vector_subcore>, window_params = [{transform_indices = #map}, {transform_indices = #map1}, {transform_indices = #map1}, {transform_indices = #map}, {transform_indices = #map}]} {
    %mul3A = arith.constant 16 : i32
    %mul3A_0 = arith.muli %arg0, %mul3A : i32
    %add3A = arith.addi %mul3A_0, %arg1 : i32
    %mul3A_1 = arith.constant 10240 : i32
    %mul3A_2 = arith.muli %add3A, %mul3A_1 : i32
    %mul3A_3 = arith.constant 640 : i32
    %mul3A_4 = arith.muli %arg1, %mul3A_3 : i32
    "tpu.region"() ({
      %run_scoped3A = tpu.sem_alloc : memref<!tpu.dma_semaphore, #tpu.memory_space<semaphore_mem>>
      tpu.enqueue_dma source(%arg5 : memref<64x128xf32, #tpu.memory_space<hbm>>) target(%arg10 : memref<64x128xf32, #tpu.memory_space<vmem>>) target_semaphore(%run_scoped3A : memref<!tpu.dma_semaphore, #tpu.memory_space<semaphore_mem>>)
      tpu.wait_dma2 semaphore(%run_scoped3A : memref<!tpu.dma_semaphore, #tpu.memory_space<semaphore_mem>>) src(%arg5 : memref<64x128xf32, #tpu.memory_space<hbm>>) dst(%arg10 : memref<64x128xf32, #tpu.memory_space<vmem>>)
      tpu.yield
    }) : () -> ()
    %scan3A = arith.constant 0 : i32
    %scan3A_5 = arith.constant 10 : i32
    %scan3A_6 = arith.addi %scan3A, %scan3A_5 : i32
    %scan3A_7 = arith.constant 1 : i32
    scf.for %scan3A_57 = %scan3A to %scan3A_6 step %scan3A_7  : i32 {
      %mul3A_58 = arith.constant 1 : i32
      %mul3A_59 = arith.muli %scan3A_57, %mul3A_58 : i32
      %add3A_60 = arith.constant 0 : i32
      %add3A_61 = arith.addi %add3A_60, %mul3A_59 : i32
      %mul3A_62 = arith.constant 64 : i32
      %mul3A_63 = arith.muli %add3A_61, %mul3A_62 : i32
      %add3A_64 = arith.addi %mul3A_4, %mul3A_63 : i32
      %multiple_of3A = tpu.assume_multiple %add3A_64, 64 : i32
      "tpu.region"() ({
        %run_scoped3A = tpu.sem_alloc : memref<!tpu.dma_semaphore, #tpu.memory_space<semaphore_mem>>
        %dma_start3A_65 = arith.constant 0 : i32
        %dma_start3A_66 = tpu.memref_slice %arg11[%multiple_of3A, %dma_start3A_65] : memref<10240x128xf32, #tpu.memory_space<vmem_shared>> -> memref<64x128xf32, #tpu.memory_space<vmem_shared>>
        %dma_start3A_67 = arith.constant 0 : i32
        %dma_start3A_68 = tpu.memref_slice %arg11[%multiple_of3A, %dma_start3A_67] : memref<10240x128xf32, #tpu.memory_space<vmem_shared>> -> memref<64x128xf32, #tpu.memory_space<vmem_shared>>
        tpu.enqueue_dma source(%arg10 : memref<64x128xf32, #tpu.memory_space<vmem>>) target(%dma_start3A_68 : memref<64x128xf32, #tpu.memory_space<vmem_shared>>) target_semaphore(%run_scoped3A : memref<!tpu.dma_semaphore, #tpu.memory_space<semaphore_mem>>)
        %dma_wait3A = arith.constant 0 : i32
        %dma_wait3A_69 = tpu.memref_slice %arg11[%multiple_of3A, %dma_wait3A] : memref<10240x128xf32, #tpu.memory_space<vmem_shared>> -> memref<64x128xf32, #tpu.memory_space<vmem_shared>>
        %dma_wait3A_70 = arith.constant 0 : i32
        %dma_wait3A_71 = tpu.memref_slice %arg11[%multiple_of3A, %dma_wait3A_70] : memref<10240x128xf32, #tpu.memory_space<vmem_shared>> -> memref<64x128xf32, #tpu.memory_space<vmem_shared>>
        tpu.wait_dma2 semaphore(%run_scoped3A : memref<!tpu.dma_semaphore, #tpu.memory_space<semaphore_mem>>) src(%arg10 : memref<64x128xf32, #tpu.memory_space<vmem>>) dst(%dma_wait3A_71 : memref<64x128xf32, #tpu.memory_space<vmem_shared>>)
        tpu.yield
      }) : () -> ()
    }
    %scan3A_8 = arith.constant 10 : i32
    %barrier3A = arith.constant 0 : index
    tpu.barrier barrier_id(%barrier3A)
    %dma_start3A = arith.constant 0 : i32
    %dma_start3A_9 = arith.constant 0 : i32
    %dma_start3A_10 = tpu.memref_slice %arg7[%dma_start3A, %dma_start3A_9] : memref<2x128xi32, #tpu.memory_space<vmem>> -> memref<1x128xi32, #tpu.memory_space<vmem>>
    %dma_start3A_11 = tpu.memref_squeeze %dma_start3A_10 : memref<1x128xi32, #tpu.memory_space<vmem>> -> memref<128xi32, #tpu.memory_space<vmem>>
    %dma_start3A_12 = tpu.memref_slice %arg3[%mul3A_2] : memref<327680xi32, #tpu.memory_space<hbm>> -> memref<128xi32, #tpu.memory_space<hbm>>
    %dma_start3A_13 = arith.constant 0 : i32
    %dma_start3A_14 = tpu.memref_slice %arg7[%dma_start3A, %dma_start3A_13] : memref<2x128xi32, #tpu.memory_space<vmem>> -> memref<1x128xi32, #tpu.memory_space<vmem>>
    %dma_start3A_15 = tpu.memref_squeeze %dma_start3A_14 : memref<1x128xi32, #tpu.memory_space<vmem>> -> memref<128xi32, #tpu.memory_space<vmem>>
    %dma_start3A_16 = tpu.memref_slice %arg3[%mul3A_2] : memref<327680xi32, #tpu.memory_space<hbm>> -> memref<128xi32, #tpu.memory_space<hbm>>
    tpu.enqueue_dma source(%dma_start3A_16 : memref<128xi32, #tpu.memory_space<hbm>>) target(%dma_start3A_15 : memref<128xi32, #tpu.memory_space<vmem>>) target_semaphore(%arg12 : memref<!tpu.dma_semaphore, #tpu.memory_space<semaphore_mem>>)
    %dma_start3A_17 = arith.constant 0 : i32
    %dma_start3A_18 = arith.constant 0 : i32
    %dma_start3A_19 = tpu.memref_slice %arg8[%dma_start3A_17, %dma_start3A_18] : memref<2x128xi32, #tpu.memory_space<vmem>> -> memref<1x128xi32, #tpu.memory_space<vmem>>
    %dma_start3A_20 = tpu.memref_squeeze %dma_start3A_19 : memref<1x128xi32, #tpu.memory_space<vmem>> -> memref<128xi32, #tpu.memory_space<vmem>>
    %dma_start3A_21 = tpu.memref_slice %arg4[%mul3A_2] : memref<327680xi32, #tpu.memory_space<hbm>> -> memref<128xi32, #tpu.memory_space<hbm>>
    %dma_start3A_22 = arith.constant 0 : i32
    %dma_start3A_23 = tpu.memref_slice %arg8[%dma_start3A_17, %dma_start3A_22] : memref<2x128xi32, #tpu.memory_space<vmem>> -> memref<1x128xi32, #tpu.memory_space<vmem>>
    %dma_start3A_24 = tpu.memref_squeeze %dma_start3A_23 : memref<1x128xi32, #tpu.memory_space<vmem>> -> memref<128xi32, #tpu.memory_space<vmem>>
    %dma_start3A_25 = tpu.memref_slice %arg4[%mul3A_2] : memref<327680xi32, #tpu.memory_space<hbm>> -> memref<128xi32, #tpu.memory_space<hbm>>
    tpu.enqueue_dma source(%dma_start3A_25 : memref<128xi32, #tpu.memory_space<hbm>>) target(%dma_start3A_24 : memref<128xi32, #tpu.memory_space<vmem>>) target_semaphore(%arg14 : memref<!tpu.dma_semaphore, #tpu.memory_space<semaphore_mem>>)
    %add3A_26 = arith.constant 128 : i32
    %add3A_27 = arith.addi %mul3A_2, %add3A_26 : i32
    %dma_start3A_28 = arith.constant 1 : i32
    %dma_start3A_29 = arith.constant 0 : i32
    %dma_start3A_30 = tpu.memref_slice %arg7[%dma_start3A_28, %dma_start3A_29] : memref<2x128xi32, #tpu.memory_space<vmem>> -> memref<1x128xi32, #tpu.memory_space<vmem>>
    %dma_start3A_31 = tpu.memref_squeeze %dma_start3A_30 : memref<1x128xi32, #tpu.memory_space<vmem>> -> memref<128xi32, #tpu.memory_space<vmem>>
    %dma_start3A_32 = tpu.memref_slice %arg3[%add3A_27] : memref<327680xi32, #tpu.memory_space<hbm>> -> memref<128xi32, #tpu.memory_space<hbm>>
    %dma_start3A_33 = arith.constant 0 : i32
    %dma_start3A_34 = tpu.memref_slice %arg7[%dma_start3A_28, %dma_start3A_33] : memref<2x128xi32, #tpu.memory_space<vmem>> -> memref<1x128xi32, #tpu.memory_space<vmem>>
    %dma_start3A_35 = tpu.memref_squeeze %dma_start3A_34 : memref<1x128xi32, #tpu.memory_space<vmem>> -> memref<128xi32, #tpu.memory_space<vmem>>
    %dma_start3A_36 = tpu.memref_slice %arg3[%add3A_27] : memref<327680xi32, #tpu.memory_space<hbm>> -> memref<128xi32, #tpu.memory_space<hbm>>
    tpu.enqueue_dma source(%dma_start3A_36 : memref<128xi32, #tpu.memory_space<hbm>>) target(%dma_start3A_35 : memref<128xi32, #tpu.memory_space<vmem>>) target_semaphore(%arg13 : memref<!tpu.dma_semaphore, #tpu.memory_space<semaphore_mem>>)
    %add3A_37 = arith.constant 128 : i32
    %add3A_38 = arith.addi %mul3A_2, %add3A_37 : i32
    %dma_start3A_39 = arith.constant 1 : i32
    %dma_start3A_40 = arith.constant 0 : i32
    %dma_start3A_41 = tpu.memref_slice %arg8[%dma_start3A_39, %dma_start3A_40] : memref<2x128xi32, #tpu.memory_space<vmem>> -> memref<1x128xi32, #tpu.memory_space<vmem>>
    %dma_start3A_42 = tpu.memref_squeeze %dma_start3A_41 : memref<1x128xi32, #tpu.memory_space<vmem>> -> memref<128xi32, #tpu.memory_space<vmem>>
    %dma_start3A_43 = tpu.memref_slice %arg4[%add3A_38] : memref<327680xi32, #tpu.memory_space<hbm>> -> memref<128xi32, #tpu.memory_space<hbm>>
    %dma_start3A_44 = arith.constant 0 : i32
    %dma_start3A_45 = tpu.memref_slice %arg8[%dma_start3A_39, %dma_start3A_44] : memref<2x128xi32, #tpu.memory_space<vmem>> -> memref<1x128xi32, #tpu.memory_space<vmem>>
    %dma_start3A_46 = tpu.memref_squeeze %dma_start3A_45 : memref<1x128xi32, #tpu.memory_space<vmem>> -> memref<128xi32, #tpu.memory_space<vmem>>
    %dma_start3A_47 = tpu.memref_slice %arg4[%add3A_38] : memref<327680xi32, #tpu.memory_space<hbm>> -> memref<128xi32, #tpu.memory_space<hbm>>
    tpu.enqueue_dma source(%dma_start3A_47 : memref<128xi32, #tpu.memory_space<hbm>>) target(%dma_start3A_46 : memref<128xi32, #tpu.memory_space<vmem>>) target_semaphore(%arg15 : memref<!tpu.dma_semaphore, #tpu.memory_space<semaphore_mem>>)
    %scan3A_48 = arith.constant 0 : i32
    %scan3A_49 = arith.constant 40 : i32
    %scan3A_50 = arith.addi %scan3A_48, %scan3A_49 : i32
    %scan3A_51 = arith.constant 1 : i32
    scf.for %scan3A_57 = %scan3A_48 to %scan3A_50 step %scan3A_51  : i32 {
      %mul3A_58 = arith.constant 1 : i32
      %mul3A_59 = arith.muli %scan3A_57, %mul3A_58 : i32
      %add3A_60 = arith.constant 0 : i32
      %add3A_61 = arith.addi %add3A_60, %mul3A_59 : i32
      %mul3A_62 = arith.constant 256 : i32
      %mul3A_63 = arith.muli %add3A_61, %mul3A_62 : i32
      %add3A_64 = arith.addi %mul3A_2, %mul3A_63 : i32
      %multiple_of3A = tpu.assume_multiple %add3A_64, 128 : i32
      %dma_wait3A = arith.constant 0 : i32
      %dma_wait3A_65 = arith.constant 0 : i32
      %dma_wait3A_66 = tpu.memref_slice %arg7[%dma_wait3A, %dma_wait3A_65] : memref<2x128xi32, #tpu.memory_space<vmem>> -> memref<1x128xi32, #tpu.memory_space<vmem>>
      %dma_wait3A_67 = tpu.memref_squeeze %dma_wait3A_66 : memref<1x128xi32, #tpu.memory_space<vmem>> -> memref<128xi32, #tpu.memory_space<vmem>>
      %dma_wait3A_68 = tpu.memref_slice %arg3[%multiple_of3A] : memref<327680xi32, #tpu.memory_space<hbm>> -> memref<128xi32, #tpu.memory_space<hbm>>
      %dma_wait3A_69 = arith.constant 0 : i32
      %dma_wait3A_70 = tpu.memref_slice %arg7[%dma_wait3A, %dma_wait3A_69] : memref<2x128xi32, #tpu.memory_space<vmem>> -> memref<1x128xi32, #tpu.memory_space<vmem>>
      %dma_wait3A_71 = tpu.memref_squeeze %dma_wait3A_70 : memref<1x128xi32, #tpu.memory_space<vmem>> -> memref<128xi32, #tpu.memory_space<vmem>>
      %dma_wait3A_72 = tpu.memref_slice %arg3[%multiple_of3A] : memref<327680xi32, #tpu.memory_space<hbm>> -> memref<128xi32, #tpu.memory_space<hbm>>
      tpu.wait_dma2 semaphore(%arg12 : memref<!tpu.dma_semaphore, #tpu.memory_space<semaphore_mem>>) src(%dma_wait3A_72 : memref<128xi32, #tpu.memory_space<hbm>>) dst(%dma_wait3A_71 : memref<128xi32, #tpu.memory_space<vmem>>)
      %dma_start3A_73 = arith.constant 0 : i32
      %dma_start3A_74 = arith.constant 0 : i32
      %dma_start3A_75 = arith.constant 0 : i32
      %dma_start3A_76 = arith.constant 0 : i32
      %dma_start3A_77 = tpu.memref_slice %arg9[%dma_start3A_74, %dma_start3A_75, %dma_start3A_76] : memref<2x128x128xf32, #tpu.memory_space<vmem>> -> memref<1x128x128xf32, #tpu.memory_space<vmem>>
      %dma_start3A_78 = tpu.memref_squeeze %dma_start3A_77 : memref<1x128x128xf32, #tpu.memory_space<vmem>> -> memref<128x128xf32, #tpu.memory_space<vmem>>
      %dma_start3A_79 = arith.constant 0 : i32
      %dma_start3A_80 = tpu.memref_slice %arg7[%dma_start3A_73, %dma_start3A_79] : memref<2x128xi32, #tpu.memory_space<vmem>> -> memref<1x128xi32, #tpu.memory_space<vmem>>
      %dma_start3A_81 = tpu.memref_squeeze %dma_start3A_80 : memref<1x128xi32, #tpu.memory_space<vmem>> -> memref<128xi32, #tpu.memory_space<vmem>>
      %dma_start3A_82 = arith.constant 0 : i32
      %dma_start3A_83 = arith.constant 0 : i32
      %dma_start3A_84 = tpu.memref_slice %arg2[%dma_start3A_82, %dma_start3A_83] : memref<10240x128xf32, #tpu.memory_space<hbm>> -> memref<10240x128xf32, #tpu.memory_space<hbm>>
      tpu.enqueue_indirect_dma source(%dma_start3A_84 : memref<10240x128xf32, #tpu.memory_space<hbm>>) target(%dma_start3A_78 : memref<128x128xf32, #tpu.memory_space<vmem>>) offsets(%dma_start3A_81 : memref<128xi32, #tpu.memory_space<vmem>>) semaphore(%arg16 : memref<!tpu.dma_semaphore, #tpu.memory_space<semaphore_mem>>)
      %dma_wait3A_85 = arith.constant 1 : i32
      %dma_wait3A_86 = arith.constant 0 : i32
      %dma_wait3A_87 = tpu.memref_slice %arg7[%dma_wait3A_85, %dma_wait3A_86] : memref<2x128xi32, #tpu.memory_space<vmem>> -> memref<1x128xi32, #tpu.memory_space<vmem>>
      %dma_wait3A_88 = tpu.memref_squeeze %dma_wait3A_87 : memref<1x128xi32, #tpu.memory_space<vmem>> -> memref<128xi32, #tpu.memory_space<vmem>>
      %dma_wait3A_89 = tpu.memref_slice %arg3[%multiple_of3A] : memref<327680xi32, #tpu.memory_space<hbm>> -> memref<128xi32, #tpu.memory_space<hbm>>
      %dma_wait3A_90 = arith.constant 0 : i32
      %dma_wait3A_91 = tpu.memref_slice %arg7[%dma_wait3A_85, %dma_wait3A_90] : memref<2x128xi32, #tpu.memory_space<vmem>> -> memref<1x128xi32, #tpu.memory_space<vmem>>
      %dma_wait3A_92 = tpu.memref_squeeze %dma_wait3A_91 : memref<1x128xi32, #tpu.memory_space<vmem>> -> memref<128xi32, #tpu.memory_space<vmem>>
      %dma_wait3A_93 = tpu.memref_slice %arg3[%multiple_of3A] : memref<327680xi32, #tpu.memory_space<hbm>> -> memref<128xi32, #tpu.memory_space<hbm>>
      tpu.wait_dma2 semaphore(%arg13 : memref<!tpu.dma_semaphore, #tpu.memory_space<semaphore_mem>>) src(%dma_wait3A_93 : memref<128xi32, #tpu.memory_space<hbm>>) dst(%dma_wait3A_92 : memref<128xi32, #tpu.memory_space<vmem>>)
      %dma_start3A_94 = arith.constant 1 : i32
      %dma_start3A_95 = arith.constant 1 : i32
      %dma_start3A_96 = arith.constant 0 : i32
      %dma_start3A_97 = arith.constant 0 : i32
      %dma_start3A_98 = tpu.memref_slice %arg9[%dma_start3A_95, %dma_start3A_96, %dma_start3A_97] : memref<2x128x128xf32, #tpu.memory_space<vmem>> -> memref<1x128x128xf32, #tpu.memory_space<vmem>>
      %dma_start3A_99 = tpu.memref_squeeze %dma_start3A_98 : memref<1x128x128xf32, #tpu.memory_space<vmem>> -> memref<128x128xf32, #tpu.memory_space<vmem>>
      %dma_start3A_100 = arith.constant 0 : i32
      %dma_start3A_101 = tpu.memref_slice %arg7[%dma_start3A_94, %dma_start3A_100] : memref<2x128xi32, #tpu.memory_space<vmem>> -> memref<1x128xi32, #tpu.memory_space<vmem>>
      %dma_start3A_102 = tpu.memref_squeeze %dma_start3A_101 : memref<1x128xi32, #tpu.memory_space<vmem>> -> memref<128xi32, #tpu.memory_space<vmem>>
      %dma_start3A_103 = arith.constant 0 : i32
      %dma_start3A_104 = arith.constant 0 : i32
      %dma_start3A_105 = tpu.memref_slice %arg2[%dma_start3A_103, %dma_start3A_104] : memref<10240x128xf32, #tpu.memory_space<hbm>> -> memref<10240x128xf32, #tpu.memory_space<hbm>>
      tpu.enqueue_indirect_dma source(%dma_start3A_105 : memref<10240x128xf32, #tpu.memory_space<hbm>>) target(%dma_start3A_99 : memref<128x128xf32, #tpu.memory_space<vmem>>) offsets(%dma_start3A_102 : memref<128xi32, #tpu.memory_space<vmem>>) semaphore(%arg17 : memref<!tpu.dma_semaphore, #tpu.memory_space<semaphore_mem>>)
      %dma_wait3A_106 = arith.constant 0 : i32
      %dma_wait3A_107 = arith.constant 0 : i32
      %dma_wait3A_108 = arith.constant 0 : i32
      %dma_wait3A_109 = arith.constant 0 : i32
      %dma_wait3A_110 = tpu.memref_slice %arg9[%dma_wait3A_107, %dma_wait3A_108, %dma_wait3A_109] : memref<2x128x128xf32, #tpu.memory_space<vmem>> -> memref<1x128x128xf32, #tpu.memory_space<vmem>>
      %dma_wait3A_111 = tpu.memref_squeeze %dma_wait3A_110 : memref<1x128x128xf32, #tpu.memory_space<vmem>> -> memref<128x128xf32, #tpu.memory_space<vmem>>
      %dma_wait3A_112 = arith.constant 0 : i32
      %dma_wait3A_113 = tpu.memref_slice %arg7[%dma_wait3A_106, %dma_wait3A_112] : memref<2x128xi32, #tpu.memory_space<vmem>> -> memref<1x128xi32, #tpu.memory_space<vmem>>
      %dma_wait3A_114 = tpu.memref_squeeze %dma_wait3A_113 : memref<1x128xi32, #tpu.memory_space<vmem>> -> memref<128xi32, #tpu.memory_space<vmem>>
      %dma_wait3A_115 = arith.constant 0 : i32
      %dma_wait3A_116 = arith.constant 0 : i32
      %dma_wait3A_117 = tpu.memref_slice %arg2[%dma_wait3A_115, %dma_wait3A_116] : memref<10240x128xf32, #tpu.memory_space<hbm>> -> memref<10240x128xf32, #tpu.memory_space<hbm>>
      tpu.wait_indirect_dma semaphore(%arg16 : memref<!tpu.dma_semaphore, #tpu.memory_space<semaphore_mem>>) src(%dma_wait3A_117 : memref<10240x128xf32, #tpu.memory_space<hbm>>) dst(%dma_wait3A_111 : memref<128x128xf32, #tpu.memory_space<vmem>>)
      %dma_wait3A_118 = arith.constant 0 : i32
      %dma_wait3A_119 = arith.constant 0 : i32
      %dma_wait3A_120 = tpu.memref_slice %arg8[%dma_wait3A_118, %dma_wait3A_119] : memref<2x128xi32, #tpu.memory_space<vmem>> -> memref<1x128xi32, #tpu.memory_space<vmem>>
      %dma_wait3A_121 = tpu.memref_squeeze %dma_wait3A_120 : memref<1x128xi32, #tpu.memory_space<vmem>> -> memref<128xi32, #tpu.memory_space<vmem>>
      %dma_wait3A_122 = tpu.memref_slice %arg4[%multiple_of3A] : memref<327680xi32, #tpu.memory_space<hbm>> -> memref<128xi32, #tpu.memory_space<hbm>>
      %dma_wait3A_123 = arith.constant 0 : i32
      %dma_wait3A_124 = tpu.memref_slice %arg8[%dma_wait3A_118, %dma_wait3A_123] : memref<2x128xi32, #tpu.memory_space<vmem>> -> memref<1x128xi32, #tpu.memory_space<vmem>>
      %dma_wait3A_125 = tpu.memref_squeeze %dma_wait3A_124 : memref<1x128xi32, #tpu.memory_space<vmem>> -> memref<128xi32, #tpu.memory_space<vmem>>
      %dma_wait3A_126 = tpu.memref_slice %arg4[%multiple_of3A] : memref<327680xi32, #tpu.memory_space<hbm>> -> memref<128xi32, #tpu.memory_space<hbm>>
      tpu.wait_dma2 semaphore(%arg14 : memref<!tpu.dma_semaphore, #tpu.memory_space<semaphore_mem>>) src(%dma_wait3A_126 : memref<128xi32, #tpu.memory_space<hbm>>) dst(%dma_wait3A_125 : memref<128xi32, #tpu.memory_space<vmem>>)
      %run_scoped3A = arith.constant 0 : i32
      %run_scoped3A_127 = arith.constant 0 : i32
      "tpu.region"() ({
        %run_scoped3A_162 = tpu.sem_alloc : memref<!tpu.dma_semaphore, #tpu.memory_space<semaphore_mem>>
        %dma_start3A_163 = arith.constant 0 : i32
        %dma_start3A_164 = arith.constant 0 : i32
        %dma_start3A_165 = tpu.memref_slice %arg9[%run_scoped3A, %dma_start3A_163, %dma_start3A_164] : memref<2x128x128xf32, #tpu.memory_space<vmem>> -> memref<1x128x128xf32, #tpu.memory_space<vmem>>
        %dma_start3A_166 = tpu.memref_squeeze %dma_start3A_165 : memref<1x128x128xf32, #tpu.memory_space<vmem>> -> memref<128x128xf32, #tpu.memory_space<vmem>>
        %dma_start3A_167 = arith.constant 0 : i32
        %dma_start3A_168 = tpu.memref_slice %arg8[%run_scoped3A_127, %dma_start3A_167] : memref<2x128xi32, #tpu.memory_space<vmem>> -> memref<1x128xi32, #tpu.memory_space<vmem>>
        %dma_start3A_169 = tpu.memref_squeeze %dma_start3A_168 : memref<1x128xi32, #tpu.memory_space<vmem>> -> memref<128xi32, #tpu.memory_space<vmem>>
        %dma_start3A_170 = arith.constant 0 : i32
        %dma_start3A_171 = arith.constant 0 : i32
        %dma_start3A_172 = tpu.memref_slice %arg11[%dma_start3A_170, %dma_start3A_171] : memref<10240x128xf32, #tpu.memory_space<vmem_shared>> -> memref<10240x128xf32, #tpu.memory_space<vmem_shared>>
        tpu.enqueue_indirect_dma source(%dma_start3A_166 : memref<128x128xf32, #tpu.memory_space<vmem>>) target(%dma_start3A_172 : memref<10240x128xf32, #tpu.memory_space<vmem_shared>>) offsets(%dma_start3A_169 : memref<128xi32, #tpu.memory_space<vmem>>) semaphore(%run_scoped3A_162 : memref<!tpu.dma_semaphore, #tpu.memory_space<semaphore_mem>>) {add = true}
        %dma_wait3A_173 = arith.constant 0 : i32
        %dma_wait3A_174 = arith.constant 0 : i32
        %dma_wait3A_175 = tpu.memref_slice %arg9[%run_scoped3A, %dma_wait3A_173, %dma_wait3A_174] : memref<2x128x128xf32, #tpu.memory_space<vmem>> -> memref<1x128x128xf32, #tpu.memory_space<vmem>>
        %dma_wait3A_176 = tpu.memref_squeeze %dma_wait3A_175 : memref<1x128x128xf32, #tpu.memory_space<vmem>> -> memref<128x128xf32, #tpu.memory_space<vmem>>
        %dma_wait3A_177 = arith.constant 0 : i32
        %dma_wait3A_178 = tpu.memref_slice %arg8[%run_scoped3A_127, %dma_wait3A_177] : memref<2x128xi32, #tpu.memory_space<vmem>> -> memref<1x128xi32, #tpu.memory_space<vmem>>
        %dma_wait3A_179 = tpu.memref_squeeze %dma_wait3A_178 : memref<1x128xi32, #tpu.memory_space<vmem>> -> memref<128xi32, #tpu.memory_space<vmem>>
        %dma_wait3A_180 = arith.constant 0 : i32
        %dma_wait3A_181 = arith.constant 0 : i32
        %dma_wait3A_182 = tpu.memref_slice %arg11[%dma_wait3A_180, %dma_wait3A_181] : memref<10240x128xf32, #tpu.memory_space<vmem_shared>> -> memref<10240x128xf32, #tpu.memory_space<vmem_shared>>
        tpu.wait_indirect_dma semaphore(%run_scoped3A_162 : memref<!tpu.dma_semaphore, #tpu.memory_space<semaphore_mem>>) src(%dma_wait3A_176 : memref<128x128xf32, #tpu.memory_space<vmem>>) dst(%dma_wait3A_182 : memref<10240x128xf32, #tpu.memory_space<vmem_shared>>)
        tpu.yield
      }) : () -> ()
      %add3A_128 = arith.constant 1 : i32
      %add3A_129 = arith.addi %add3A_61, %add3A_128 : i32
      %lt3A = arith.constant 40 : i32
      %lt3A_130 = arith.cmpi slt, %add3A_129, %lt3A : i32
      %convert_element_type3A = arith.extui %lt3A_130 : i1 to i32
      %cond3A = arith.constant 0 : i32
      %cond3A_131 = arith.cmpi ne, %convert_element_type3A, %cond3A : i32
      scf.if %cond3A_131 {
        %add3A_162 = arith.constant 256 : i32
        %add3A_163 = arith.addi %multiple_of3A, %add3A_162 : i32
        %multiple_of3A_164 = tpu.assume_multiple %add3A_163, 128 : i32
        %dma_start3A_165 = arith.constant 0 : i32
        %dma_start3A_166 = arith.constant 0 : i32
        %dma_start3A_167 = tpu.memref_slice %arg7[%dma_start3A_165, %dma_start3A_166] : memref<2x128xi32, #tpu.memory_space<vmem>> -> memref<1x128xi32, #tpu.memory_space<vmem>>
        %dma_start3A_168 = tpu.memref_squeeze %dma_start3A_167 : memref<1x128xi32, #tpu.memory_space<vmem>> -> memref<128xi32, #tpu.memory_space<vmem>>
        %dma_start3A_169 = tpu.memref_slice %arg3[%multiple_of3A_164] : memref<327680xi32, #tpu.memory_space<hbm>> -> memref<128xi32, #tpu.memory_space<hbm>>
        %dma_start3A_170 = arith.constant 0 : i32
        %dma_start3A_171 = tpu.memref_slice %arg7[%dma_start3A_165, %dma_start3A_170] : memref<2x128xi32, #tpu.memory_space<vmem>> -> memref<1x128xi32, #tpu.memory_space<vmem>>
        %dma_start3A_172 = tpu.memref_squeeze %dma_start3A_171 : memref<1x128xi32, #tpu.memory_space<vmem>> -> memref<128xi32, #tpu.memory_space<vmem>>
        %dma_start3A_173 = tpu.memref_slice %arg3[%multiple_of3A_164] : memref<327680xi32, #tpu.memory_space<hbm>> -> memref<128xi32, #tpu.memory_space<hbm>>
        tpu.enqueue_dma source(%dma_start3A_173 : memref<128xi32, #tpu.memory_space<hbm>>) target(%dma_start3A_172 : memref<128xi32, #tpu.memory_space<vmem>>) target_semaphore(%arg12 : memref<!tpu.dma_semaphore, #tpu.memory_space<semaphore_mem>>)
        %dma_start3A_174 = arith.constant 0 : i32
        %dma_start3A_175 = arith.constant 0 : i32
        %dma_start3A_176 = tpu.memref_slice %arg8[%dma_start3A_174, %dma_start3A_175] : memref<2x128xi32, #tpu.memory_space<vmem>> -> memref<1x128xi32, #tpu.memory_space<vmem>>
        %dma_start3A_177 = tpu.memref_squeeze %dma_start3A_176 : memref<1x128xi32, #tpu.memory_space<vmem>> -> memref<128xi32, #tpu.memory_space<vmem>>
        %dma_start3A_178 = tpu.memref_slice %arg4[%multiple_of3A_164] : memref<327680xi32, #tpu.memory_space<hbm>> -> memref<128xi32, #tpu.memory_space<hbm>>
        %dma_start3A_179 = arith.constant 0 : i32
        %dma_start3A_180 = tpu.memref_slice %arg8[%dma_start3A_174, %dma_start3A_179] : memref<2x128xi32, #tpu.memory_space<vmem>> -> memref<1x128xi32, #tpu.memory_space<vmem>>
        %dma_start3A_181 = tpu.memref_squeeze %dma_start3A_180 : memref<1x128xi32, #tpu.memory_space<vmem>> -> memref<128xi32, #tpu.memory_space<vmem>>
        %dma_start3A_182 = tpu.memref_slice %arg4[%multiple_of3A_164] : memref<327680xi32, #tpu.memory_space<hbm>> -> memref<128xi32, #tpu.memory_space<hbm>>
        tpu.enqueue_dma source(%dma_start3A_182 : memref<128xi32, #tpu.memory_space<hbm>>) target(%dma_start3A_181 : memref<128xi32, #tpu.memory_space<vmem>>) target_semaphore(%arg14 : memref<!tpu.dma_semaphore, #tpu.memory_space<semaphore_mem>>)
      } else {
      }
      %dma_wait3A_132 = arith.constant 1 : i32
      %dma_wait3A_133 = arith.constant 1 : i32
      %dma_wait3A_134 = arith.constant 0 : i32
      %dma_wait3A_135 = arith.constant 0 : i32
      %dma_wait3A_136 = tpu.memref_slice %arg9[%dma_wait3A_133, %dma_wait3A_134, %dma_wait3A_135] : memref<2x128x128xf32, #tpu.memory_space<vmem>> -> memref<1x128x128xf32, #tpu.memory_space<vmem>>
      %dma_wait3A_137 = tpu.memref_squeeze %dma_wait3A_136 : memref<1x128x128xf32, #tpu.memory_space<vmem>> -> memref<128x128xf32, #tpu.memory_space<vmem>>
      %dma_wait3A_138 = arith.constant 0 : i32
      %dma_wait3A_139 = tpu.memref_slice %arg7[%dma_wait3A_132, %dma_wait3A_138] : memref<2x128xi32, #tpu.memory_space<vmem>> -> memref<1x128xi32, #tpu.memory_space<vmem>>
      %dma_wait3A_140 = tpu.memref_squeeze %dma_wait3A_139 : memref<1x128xi32, #tpu.memory_space<vmem>> -> memref<128xi32, #tpu.memory_space<vmem>>
      %dma_wait3A_141 = arith.constant 0 : i32
      %dma_wait3A_142 = arith.constant 0 : i32
      %dma_wait3A_143 = tpu.memref_slice %arg2[%dma_wait3A_141, %dma_wait3A_142] : memref<10240x128xf32, #tpu.memory_space<hbm>> -> memref<10240x128xf32, #tpu.memory_space<hbm>>
      tpu.wait_indirect_dma semaphore(%arg17 : memref<!tpu.dma_semaphore, #tpu.memory_space<semaphore_mem>>) src(%dma_wait3A_143 : memref<10240x128xf32, #tpu.memory_space<hbm>>) dst(%dma_wait3A_137 : memref<128x128xf32, #tpu.memory_space<vmem>>)
      %dma_wait3A_144 = arith.constant 1 : i32
      %dma_wait3A_145 = arith.constant 0 : i32
      %dma_wait3A_146 = tpu.memref_slice %arg8[%dma_wait3A_144, %dma_wait3A_145] : memref<2x128xi32, #tpu.memory_space<vmem>> -> memref<1x128xi32, #tpu.memory_space<vmem>>
      %dma_wait3A_147 = tpu.memref_squeeze %dma_wait3A_146 : memref<1x128xi32, #tpu.memory_space<vmem>> -> memref<128xi32, #tpu.memory_space<vmem>>
      %dma_wait3A_148 = tpu.memref_slice %arg4[%multiple_of3A] : memref<327680xi32, #tpu.memory_space<hbm>> -> memref<128xi32, #tpu.memory_space<hbm>>
      %dma_wait3A_149 = arith.constant 0 : i32
      %dma_wait3A_150 = tpu.memref_slice %arg8[%dma_wait3A_144, %dma_wait3A_149] : memref<2x128xi32, #tpu.memory_space<vmem>> -> memref<1x128xi32, #tpu.memory_space<vmem>>
      %dma_wait3A_151 = tpu.memref_squeeze %dma_wait3A_150 : memref<1x128xi32, #tpu.memory_space<vmem>> -> memref<128xi32, #tpu.memory_space<vmem>>
      %dma_wait3A_152 = tpu.memref_slice %arg4[%multiple_of3A] : memref<327680xi32, #tpu.memory_space<hbm>> -> memref<128xi32, #tpu.memory_space<hbm>>
      tpu.wait_dma2 semaphore(%arg15 : memref<!tpu.dma_semaphore, #tpu.memory_space<semaphore_mem>>) src(%dma_wait3A_152 : memref<128xi32, #tpu.memory_space<hbm>>) dst(%dma_wait3A_151 : memref<128xi32, #tpu.memory_space<vmem>>)
      %run_scoped3A_153 = arith.constant 1 : i32
      %run_scoped3A_154 = arith.constant 1 : i32
      "tpu.region"() ({
        %run_scoped3A_162 = tpu.sem_alloc : memref<!tpu.dma_semaphore, #tpu.memory_space<semaphore_mem>>
        %dma_start3A_163 = arith.constant 0 : i32
        %dma_start3A_164 = arith.constant 0 : i32
        %dma_start3A_165 = tpu.memref_slice %arg9[%run_scoped3A_153, %dma_start3A_163, %dma_start3A_164] : memref<2x128x128xf32, #tpu.memory_space<vmem>> -> memref<1x128x128xf32, #tpu.memory_space<vmem>>
        %dma_start3A_166 = tpu.memref_squeeze %dma_start3A_165 : memref<1x128x128xf32, #tpu.memory_space<vmem>> -> memref<128x128xf32, #tpu.memory_space<vmem>>
        %dma_start3A_167 = arith.constant 0 : i32
        %dma_start3A_168 = tpu.memref_slice %arg8[%run_scoped3A_154, %dma_start3A_167] : memref<2x128xi32, #tpu.memory_space<vmem>> -> memref<1x128xi32, #tpu.memory_space<vmem>>
        %dma_start3A_169 = tpu.memref_squeeze %dma_start3A_168 : memref<1x128xi32, #tpu.memory_space<vmem>> -> memref<128xi32, #tpu.memory_space<vmem>>
        %dma_start3A_170 = arith.constant 0 : i32
        %dma_start3A_171 = arith.constant 0 : i32
        %dma_start3A_172 = tpu.memref_slice %arg11[%dma_start3A_170, %dma_start3A_171] : memref<10240x128xf32, #tpu.memory_space<vmem_shared>> -> memref<10240x128xf32, #tpu.memory_space<vmem_shared>>
        tpu.enqueue_indirect_dma source(%dma_start3A_166 : memref<128x128xf32, #tpu.memory_space<vmem>>) target(%dma_start3A_172 : memref<10240x128xf32, #tpu.memory_space<vmem_shared>>) offsets(%dma_start3A_169 : memref<128xi32, #tpu.memory_space<vmem>>) semaphore(%run_scoped3A_162 : memref<!tpu.dma_semaphore, #tpu.memory_space<semaphore_mem>>) {add = true}
        %dma_wait3A_173 = arith.constant 0 : i32
        %dma_wait3A_174 = arith.constant 0 : i32
        %dma_wait3A_175 = tpu.memref_slice %arg9[%run_scoped3A_153, %dma_wait3A_173, %dma_wait3A_174] : memref<2x128x128xf32, #tpu.memory_space<vmem>> -> memref<1x128x128xf32, #tpu.memory_space<vmem>>
        %dma_wait3A_176 = tpu.memref_squeeze %dma_wait3A_175 : memref<1x128x128xf32, #tpu.memory_space<vmem>> -> memref<128x128xf32, #tpu.memory_space<vmem>>
        %dma_wait3A_177 = arith.constant 0 : i32
        %dma_wait3A_178 = tpu.memref_slice %arg8[%run_scoped3A_154, %dma_wait3A_177] : memref<2x128xi32, #tpu.memory_space<vmem>> -> memref<1x128xi32, #tpu.memory_space<vmem>>
        %dma_wait3A_179 = tpu.memref_squeeze %dma_wait3A_178 : memref<1x128xi32, #tpu.memory_space<vmem>> -> memref<128xi32, #tpu.memory_space<vmem>>
        %dma_wait3A_180 = arith.constant 0 : i32
        %dma_wait3A_181 = arith.constant 0 : i32
        %dma_wait3A_182 = tpu.memref_slice %arg11[%dma_wait3A_180, %dma_wait3A_181] : memref<10240x128xf32, #tpu.memory_space<vmem_shared>> -> memref<10240x128xf32, #tpu.memory_space<vmem_shared>>
        tpu.wait_indirect_dma semaphore(%run_scoped3A_162 : memref<!tpu.dma_semaphore, #tpu.memory_space<semaphore_mem>>) src(%dma_wait3A_176 : memref<128x128xf32, #tpu.memory_space<vmem>>) dst(%dma_wait3A_182 : memref<10240x128xf32, #tpu.memory_space<vmem_shared>>)
        tpu.yield
      }) : () -> ()
      %add3A_155 = arith.constant 1 : i32
      %add3A_156 = arith.addi %add3A_61, %add3A_155 : i32
      %lt3A_157 = arith.constant 40 : i32
      %lt3A_158 = arith.cmpi slt, %add3A_156, %lt3A_157 : i32
      %convert_element_type3A_159 = arith.extui %lt3A_158 : i1 to i32
      %cond3A_160 = arith.constant 0 : i32
      %cond3A_161 = arith.cmpi ne, %convert_element_type3A_159, %cond3A_160 : i32
      scf.if %cond3A_161 {
        %add3A_162 = arith.constant 384 : i32
        %add3A_163 = arith.addi %multiple_of3A, %add3A_162 : i32
        %multiple_of3A_164 = tpu.assume_multiple %add3A_163, 128 : i32
        %dma_start3A_165 = arith.constant 1 : i32
        %dma_start3A_166 = arith.constant 0 : i32
        %dma_start3A_167 = tpu.memref_slice %arg7[%dma_start3A_165, %dma_start3A_166] : memref<2x128xi32, #tpu.memory_space<vmem>> -> memref<1x128xi32, #tpu.memory_space<vmem>>
        %dma_start3A_168 = tpu.memref_squeeze %dma_start3A_167 : memref<1x128xi32, #tpu.memory_space<vmem>> -> memref<128xi32, #tpu.memory_space<vmem>>
        %dma_start3A_169 = tpu.memref_slice %arg3[%multiple_of3A_164] : memref<327680xi32, #tpu.memory_space<hbm>> -> memref<128xi32, #tpu.memory_space<hbm>>
        %dma_start3A_170 = arith.constant 0 : i32
        %dma_start3A_171 = tpu.memref_slice %arg7[%dma_start3A_165, %dma_start3A_170] : memref<2x128xi32, #tpu.memory_space<vmem>> -> memref<1x128xi32, #tpu.memory_space<vmem>>
        %dma_start3A_172 = tpu.memref_squeeze %dma_start3A_171 : memref<1x128xi32, #tpu.memory_space<vmem>> -> memref<128xi32, #tpu.memory_space<vmem>>
        %dma_start3A_173 = tpu.memref_slice %arg3[%multiple_of3A_164] : memref<327680xi32, #tpu.memory_space<hbm>> -> memref<128xi32, #tpu.memory_space<hbm>>
        tpu.enqueue_dma source(%dma_start3A_173 : memref<128xi32, #tpu.memory_space<hbm>>) target(%dma_start3A_172 : memref<128xi32, #tpu.memory_space<vmem>>) target_semaphore(%arg13 : memref<!tpu.dma_semaphore, #tpu.memory_space<semaphore_mem>>)
        %dma_start3A_174 = arith.constant 1 : i32
        %dma_start3A_175 = arith.constant 0 : i32
        %dma_start3A_176 = tpu.memref_slice %arg8[%dma_start3A_174, %dma_start3A_175] : memref<2x128xi32, #tpu.memory_space<vmem>> -> memref<1x128xi32, #tpu.memory_space<vmem>>
        %dma_start3A_177 = tpu.memref_squeeze %dma_start3A_176 : memref<1x128xi32, #tpu.memory_space<vmem>> -> memref<128xi32, #tpu.memory_space<vmem>>
        %dma_start3A_178 = tpu.memref_slice %arg4[%multiple_of3A_164] : memref<327680xi32, #tpu.memory_space<hbm>> -> memref<128xi32, #tpu.memory_space<hbm>>
        %dma_start3A_179 = arith.constant 0 : i32
        %dma_start3A_180 = tpu.memref_slice %arg8[%dma_start3A_174, %dma_start3A_179] : memref<2x128xi32, #tpu.memory_space<vmem>> -> memref<1x128xi32, #tpu.memory_space<vmem>>
        %dma_start3A_181 = tpu.memref_squeeze %dma_start3A_180 : memref<1x128xi32, #tpu.memory_space<vmem>> -> memref<128xi32, #tpu.memory_space<vmem>>
        %dma_start3A_182 = tpu.memref_slice %arg4[%multiple_of3A_164] : memref<327680xi32, #tpu.memory_space<hbm>> -> memref<128xi32, #tpu.memory_space<hbm>>
        tpu.enqueue_dma source(%dma_start3A_182 : memref<128xi32, #tpu.memory_space<hbm>>) target(%dma_start3A_181 : memref<128xi32, #tpu.memory_space<vmem>>) target_semaphore(%arg15 : memref<!tpu.dma_semaphore, #tpu.memory_space<semaphore_mem>>)
      } else {
      }
    }
    %scan3A_52 = arith.constant 40 : i32
    %barrier3A_53 = arith.constant 0 : index
    tpu.barrier barrier_id(%barrier3A_53)
    %mul3A_54 = arith.constant 10240 : i32
    %mul3A_55 = arith.muli %arg0, %mul3A_54 : i32
    %add3A_56 = arith.addi %mul3A_55, %mul3A_4 : i32
    "tpu.region"() ({
      %run_scoped3A = tpu.sem_alloc : memref<!tpu.dma_semaphore, #tpu.memory_space<semaphore_mem>>
      %dma_start3A_57 = arith.constant 0 : i32
      %dma_start3A_58 = tpu.memref_slice %arg6[%add3A_56, %dma_start3A_57] : memref<20480x128xf32, #tpu.memory_space<hbm>> -> memref<640x128xf32, #tpu.memory_space<hbm>>
      %dma_start3A_59 = arith.constant 0 : i32
      %dma_start3A_60 = tpu.memref_slice %arg11[%mul3A_4, %dma_start3A_59] : memref<10240x128xf32, #tpu.memory_space<vmem_shared>> -> memref<640x128xf32, #tpu.memory_space<vmem_shared>>
      tpu.enqueue_dma source(%dma_start3A_60 : memref<640x128xf32, #tpu.memory_space<vmem_shared>>) target(%dma_start3A_58 : memref<640x128xf32, #tpu.memory_space<hbm>>) target_semaphore(%run_scoped3A : memref<!tpu.dma_semaphore, #tpu.memory_space<semaphore_mem>>)
      %dma_wait3A = arith.constant 0 : i32
      %dma_wait3A_61 = tpu.memref_slice %arg6[%add3A_56, %dma_wait3A] : memref<20480x128xf32, #tpu.memory_space<hbm>> -> memref<640x128xf32, #tpu.memory_space<hbm>>
      %dma_wait3A_62 = arith.constant 0 : i32
      %dma_wait3A_63 = tpu.memref_slice %arg11[%mul3A_4, %dma_wait3A_62] : memref<10240x128xf32, #tpu.memory_space<vmem_shared>> -> memref<640x128xf32, #tpu.memory_space<vmem_shared>>
      tpu.wait_dma2 semaphore(%run_scoped3A : memref<!tpu.dma_semaphore, #tpu.memory_space<semaphore_mem>>) src(%dma_wait3A_63 : memref<640x128xf32, #tpu.memory_space<vmem_shared>>) dst(%dma_wait3A_61 : memref<640x128xf32, #tpu.memory_space<hbm>>)
      tpu.yield
    }) : () -> ()
    return
  }
}

module attributes {stable_mosaic.version = 14 : i64} {
  func.func @_dense_body(%arg0: i32, %arg1: memref<2x1024x128xf32, #tpu.memory_space<vmem>>, %arg2: memref<2x1024x128xf32, #tpu.memory_space<vmem>>, %arg3: memref<1024x128xf32, #tpu.memory_space<vmem>>, %arg4: memref<1024x128xf32, #tpu.memory_space<vmem>>, %arg5: memref<128x128xf32, #tpu.memory_space<vmem>>, %arg6: memref<128xf32, #tpu.memory_space<vmem>>, %arg7: memref<128x128xf32, #tpu.memory_space<vmem>>, %arg8: memref<128xf32, #tpu.memory_space<vmem>>, %arg9: memref<128x128xf32, #tpu.memory_space<vmem>>, %arg10: memref<128xf32, #tpu.memory_space<vmem>>, %arg11: memref<1024x128xf32, #tpu.memory_space<vmem>>) attributes {dimension_semantics = [#tpu.dimension_semantics<arbitrary>], iteration_bounds = array<i64: 10>, scalar_prefetch = 0 : i64, scratch_operands = 0 : i64, tpu.core_type = #tpu.core_type<tc>, window_params = [{transform_indices = @transform_0, window_bounds = array<i64: 2, 1024, 128>}, {transform_indices = @transform_1, window_bounds = array<i64: 2, 1024, 128>}, {transform_indices = @transform_2, window_bounds = array<i64: 1024, 128>}, {transform_indices = @transform_3, window_bounds = array<i64: 1024, 128>}, {pipeline_mode = #tpu.pipeline_mode<synchronous>, transform_indices = @transform_4, window_bounds = array<i64: 128, 128>}, {pipeline_mode = #tpu.pipeline_mode<synchronous>, transform_indices = @transform_5, window_bounds = array<i64: 128>}, {pipeline_mode = #tpu.pipeline_mode<synchronous>, transform_indices = @transform_6, window_bounds = array<i64: 128, 128>}, {pipeline_mode = #tpu.pipeline_mode<synchronous>, transform_indices = @transform_7, window_bounds = array<i64: 128>}, {pipeline_mode = #tpu.pipeline_mode<synchronous>, transform_indices = @transform_8, window_bounds = array<i64: 128, 128>}, {pipeline_mode = #tpu.pipeline_mode<synchronous>, transform_indices = @transform_9, window_bounds = array<i64: 128>}, {transform_indices = @transform_10, window_bounds = array<i64: 1024, 128>}]} {
    %get3A = arith.constant 0 : index
    %get3A_0 = arith.constant 0 : index
    %get3A_1 = arith.constant 0 : index
    %get3A_2 = vector.load %arg1[%get3A, %get3A_0, %get3A_1] : memref<2x1024x128xf32, #tpu.memory_space<vmem>>, vector<1x1024x128xf32>
    %get3A_3 = vector.shape_cast %get3A_2 : vector<1x1024x128xf32> to vector<1024x128xf32>
    %get3A_4 = arith.constant 1 : index
    %get3A_5 = arith.constant 0 : index
    %get3A_6 = arith.constant 0 : index
    %get3A_7 = vector.load %arg1[%get3A_4, %get3A_5, %get3A_6] : memref<2x1024x128xf32, #tpu.memory_space<vmem>>, vector<1x1024x128xf32>
    %get3A_8 = vector.shape_cast %get3A_7 : vector<1x1024x128xf32> to vector<1024x128xf32>
    %add3A = arith.addf %get3A_3, %get3A_8 : vector<1024x128xf32>
    %get3A_9 = arith.constant 0 : index
    %get3A_10 = arith.constant 0 : index
    %get3A_11 = arith.constant 0 : index
    %get3A_12 = vector.load %arg2[%get3A_9, %get3A_10, %get3A_11] : memref<2x1024x128xf32, #tpu.memory_space<vmem>>, vector<1x1024x128xf32>
    %get3A_13 = vector.shape_cast %get3A_12 : vector<1x1024x128xf32> to vector<1024x128xf32>
    %get3A_14 = arith.constant 1 : index
    %get3A_15 = arith.constant 0 : index
    %get3A_16 = arith.constant 0 : index
    %get3A_17 = vector.load %arg2[%get3A_14, %get3A_15, %get3A_16] : memref<2x1024x128xf32, #tpu.memory_space<vmem>>, vector<1x1024x128xf32>
    %get3A_18 = vector.shape_cast %get3A_17 : vector<1x1024x128xf32> to vector<1024x128xf32>
    %add3A_19 = arith.addf %get3A_13, %get3A_18 : vector<1024x128xf32>
    %max3A = arith.constant 1.000000e+00 : f32
    %max3A_20 = vector.broadcast %max3A : f32 to vector<1024x128xf32>
    %max3A_21 = arith.maximumf %add3A_19, %max3A_20 : vector<1024x128xf32>
    %div3A = arith.constant 1.000000e+00 : f32
    %div3A_22 = vector.broadcast %div3A : f32 to vector<1024x128xf32>
    %div3A_23 = arith.divf %div3A_22, %max3A_21 : vector<1024x128xf32>
    %mul3A = arith.mulf %add3A, %div3A_23 : vector<1024x128xf32>
    %get3A_24 = arith.constant 0 : index
    %get3A_25 = arith.constant 0 : index
    %get3A_26 = vector.load %arg5[%get3A_24, %get3A_25] : memref<128x128xf32, #tpu.memory_space<vmem>>, vector<128x128xf32>
    %dot_general3A = arith.constant dense<0.000000e+00> : vector<1024x128xf32>
    %dot_general3A_27 = tpu.matmul %mul3A, %get3A_26, %dot_general3A {dimension_numbers = #tpu.dot_dimension_numbers<[1], [1], [0], [0], [0, 0, 1, 0], [], []>, transpose_lhs_hint = false} : vector<1024x128xf32>, vector<128x128xf32>, vector<1024x128xf32> -> vector<1024x128xf32>
    %get3A_28 = arith.constant 0 : index
    %get3A_29 = vector.load %arg6[%get3A_28] : memref<128xf32, #tpu.memory_space<vmem>>, vector<128xf32>
    %broadcast_in_dim3A = vector.shape_cast %get3A_29 : vector<128xf32> to vector<1x128xf32>
    %add3A_30 = vector.broadcast %broadcast_in_dim3A : vector<1x128xf32> to vector<1024x128xf32>
    %add3A_31 = arith.addf %dot_general3A_27, %add3A_30 : vector<1024x128xf32>
    %get3A_32 = arith.constant 0 : index
    %get3A_33 = arith.constant 0 : index
    %get3A_34 = vector.load %arg3[%get3A_32, %get3A_33] : memref<1024x128xf32, #tpu.memory_space<vmem>>, vector<1024x128xf32>
    %get3A_35 = arith.constant 0 : index
    %get3A_36 = arith.constant 0 : index
    %get3A_37 = vector.load %arg7[%get3A_35, %get3A_36] : memref<128x128xf32, #tpu.memory_space<vmem>>, vector<128x128xf32>
    %dot_general3A_38 = arith.constant dense<0.000000e+00> : vector<1024x128xf32>
    %dot_general3A_39 = tpu.matmul %get3A_34, %get3A_37, %dot_general3A_38 {dimension_numbers = #tpu.dot_dimension_numbers<[1], [1], [0], [0], [0, 0, 1, 0], [], []>, transpose_lhs_hint = false} : vector<1024x128xf32>, vector<128x128xf32>, vector<1024x128xf32> -> vector<1024x128xf32>
    %add3A_40 = arith.addf %add3A_31, %dot_general3A_39 : vector<1024x128xf32>
    %ge3A = arith.constant 0.000000e+00 : f32
    %ge3A_41 = vector.broadcast %ge3A : f32 to vector<1024x128xf32>
    %ge3A_42 = arith.cmpf oge, %add3A_40, %ge3A_41 : vector<1024x128xf32>
    %get3A_43 = arith.constant 0 : index
    %get3A_44 = vector.load %arg8[%get3A_43] : memref<128xf32, #tpu.memory_space<vmem>>, vector<128xf32>
    %broadcast_in_dim3A_45 = vector.shape_cast %get3A_44 : vector<128xf32> to vector<1x128xf32>
    %mul3A_46 = vector.broadcast %broadcast_in_dim3A_45 : vector<1x128xf32> to vector<1024x128xf32>
    %mul3A_47 = arith.mulf %mul3A_46, %add3A_40 : vector<1024x128xf32>
    %select_n3A = arith.select %ge3A_42, %add3A_40, %mul3A_47 : vector<1024x128xi1>, vector<1024x128xf32>
    %get3A_48 = arith.constant 0 : index
    %get3A_49 = arith.constant 0 : index
    %get3A_50 = vector.load %arg4[%get3A_48, %get3A_49] : memref<1024x128xf32, #tpu.memory_space<vmem>>, vector<1024x128xf32>
    %get3A_51 = arith.constant 0 : index
    %get3A_52 = arith.constant 0 : index
    %get3A_53 = vector.load %arg9[%get3A_51, %get3A_52] : memref<128x128xf32, #tpu.memory_space<vmem>>, vector<128x128xf32>
    %dot_general3A_54 = arith.constant dense<0.000000e+00> : vector<1024x128xf32>
    %dot_general3A_55 = tpu.matmul %get3A_50, %get3A_53, %dot_general3A_54 {dimension_numbers = #tpu.dot_dimension_numbers<[1], [1], [0], [0], [0, 0, 1, 0], [], []>, transpose_lhs_hint = false} : vector<1024x128xf32>, vector<128x128xf32>, vector<1024x128xf32> -> vector<1024x128xf32>
    %add3A_56 = arith.addf %select_n3A, %dot_general3A_55 : vector<1024x128xf32>
    %get3A_57 = arith.constant 0 : index
    %get3A_58 = vector.load %arg10[%get3A_57] : memref<128xf32, #tpu.memory_space<vmem>>, vector<128xf32>
    %broadcast_in_dim3A_59 = vector.shape_cast %get3A_58 : vector<128xf32> to vector<1x128xf32>
    %add3A_60 = vector.broadcast %broadcast_in_dim3A_59 : vector<1x128xf32> to vector<1024x128xf32>
    %add3A_61 = arith.addf %add3A_56, %add3A_60 : vector<1024x128xf32>
    %swap3A = arith.constant 0 : index
    %swap3A_62 = arith.constant 0 : index
    %swap3A_63 = vector.load %arg11[%swap3A, %swap3A_62] : memref<1024x128xf32, #tpu.memory_space<vmem>>, vector<1024x128xf32>
    tpu.vector_store %arg11[%swap3A, %swap3A_62], %add3A_61 {strides = array<i32>} : memref<1024x128xf32, #tpu.memory_space<vmem>>, vector<1024x128xf32>,
    return
  }
  func.func @transform_0(%arg0: i32) -> (i32, i32, i32) {
    %c0_i32 = arith.constant 0 : i32
    %c0_i32_0 = arith.constant 0 : i32
    %c0_i32_1 = arith.constant 0 : i32
    return %c0_i32, %arg0, %c0_i32_0 : i32, i32, i32
  }
  func.func @transform_1(%arg0: i32) -> (i32, i32, i32) {
    %c0_i32 = arith.constant 0 : i32
    %c0_i32_0 = arith.constant 0 : i32
    %c0_i32_1 = arith.constant 0 : i32
    return %c0_i32, %arg0, %c0_i32_0 : i32, i32, i32
  }
  func.func @transform_2(%arg0: i32) -> (i32, i32) {
    %c0_i32 = arith.constant 0 : i32
    %c0_i32_0 = arith.constant 0 : i32
    return %arg0, %c0_i32 : i32, i32
  }
  func.func @transform_3(%arg0: i32) -> (i32, i32) {
    %c0_i32 = arith.constant 0 : i32
    %c0_i32_0 = arith.constant 0 : i32
    return %arg0, %c0_i32 : i32, i32
  }
  func.func @transform_4(%arg0: i32) -> (i32, i32) {
    %c0_i32 = arith.constant 0 : i32
    %c0_i32_0 = arith.constant 0 : i32
    %c0_i32_1 = arith.constant 0 : i32
    return %c0_i32, %c0_i32_0 : i32, i32
  }
  func.func @transform_5(%arg0: i32) -> i32 {
    %c0_i32 = arith.constant 0 : i32
    %c0_i32_0 = arith.constant 0 : i32
    return %c0_i32 : i32
  }
  func.func @transform_6(%arg0: i32) -> (i32, i32) {
    %c0_i32 = arith.constant 0 : i32
    %c0_i32_0 = arith.constant 0 : i32
    %c0_i32_1 = arith.constant 0 : i32
    return %c0_i32, %c0_i32_0 : i32, i32
  }
  func.func @transform_7(%arg0: i32) -> i32 {
    %c0_i32 = arith.constant 0 : i32
    %c0_i32_0 = arith.constant 0 : i32
    return %c0_i32 : i32
  }
  func.func @transform_8(%arg0: i32) -> (i32, i32) {
    %c0_i32 = arith.constant 0 : i32
    %c0_i32_0 = arith.constant 0 : i32
    %c0_i32_1 = arith.constant 0 : i32
    return %c0_i32, %c0_i32_0 : i32, i32
  }
  func.func @transform_9(%arg0: i32) -> i32 {
    %c0_i32 = arith.constant 0 : i32
    %c0_i32_0 = arith.constant 0 : i32
    return %c0_i32 : i32
  }
  func.func @transform_10(%arg0: i32) -> (i32, i32) {
    %c0_i32 = arith.constant 0 : i32
    %c0_i32_0 = arith.constant 0 : i32
    return %arg0, %c0_i32 : i32, i32
  }
}

module attributes {stable_mosaic.version = 14 : i64} {
  func.func @_dense_body(%arg0: i32, %arg1: memref<2x1024x128xf32, #tpu.memory_space<vmem>>, %arg2: memref<2x1024x128xf32, #tpu.memory_space<vmem>>, %arg3: memref<1024x128xf32, #tpu.memory_space<vmem>>, %arg4: memref<1024x128xf32, #tpu.memory_space<vmem>>, %arg5: memref<128x128xf32, #tpu.memory_space<vmem>>, %arg6: memref<128xf32, #tpu.memory_space<vmem>>, %arg7: memref<128x128xf32, #tpu.memory_space<vmem>>, %arg8: memref<128xf32, #tpu.memory_space<vmem>>, %arg9: memref<128x128xf32, #tpu.memory_space<vmem>>, %arg10: memref<128xf32, #tpu.memory_space<vmem>>, %arg11: memref<1024x128xf32, #tpu.memory_space<vmem>>) attributes {dimension_semantics = [#tpu.dimension_semantics<arbitrary>], iteration_bounds = array<i64: 10>, scalar_prefetch = 0 : i64, scratch_operands = 0 : i64, tpu.core_type = #tpu.core_type<tc>, window_params = [{transform_indices = @transform_0, window_bounds = array<i64: 2, 1024, 128>}, {transform_indices = @transform_1, window_bounds = array<i64: 2, 1024, 128>}, {transform_indices = @transform_2, window_bounds = array<i64: 1024, 128>}, {transform_indices = @transform_3, window_bounds = array<i64: 1024, 128>}, {pipeline_mode = #tpu.pipeline_mode<synchronous>, transform_indices = @transform_4, window_bounds = array<i64: 128, 128>}, {pipeline_mode = #tpu.pipeline_mode<synchronous>, transform_indices = @transform_5, window_bounds = array<i64: 128>}, {pipeline_mode = #tpu.pipeline_mode<synchronous>, transform_indices = @transform_6, window_bounds = array<i64: 128, 128>}, {pipeline_mode = #tpu.pipeline_mode<synchronous>, transform_indices = @transform_7, window_bounds = array<i64: 128>}, {pipeline_mode = #tpu.pipeline_mode<synchronous>, transform_indices = @transform_8, window_bounds = array<i64: 128, 128>}, {pipeline_mode = #tpu.pipeline_mode<synchronous>, transform_indices = @transform_9, window_bounds = array<i64: 128>}, {transform_indices = @transform_10, window_bounds = array<i64: 1024, 128>}]} {
    %get3A = arith.constant 0 : index
    %get3A_0 = arith.constant 0 : index
    %get3A_1 = arith.constant 0 : index
    %get3A_2 = vector.load %arg1[%get3A, %get3A_0, %get3A_1] : memref<2x1024x128xf32, #tpu.memory_space<vmem>>, vector<1x1024x128xf32>
    %get3A_3 = vector.shape_cast %get3A_2 : vector<1x1024x128xf32> to vector<1024x128xf32>
    %get3A_4 = arith.constant 1 : index
    %get3A_5 = arith.constant 0 : index
    %get3A_6 = arith.constant 0 : index
    %get3A_7 = vector.load %arg1[%get3A_4, %get3A_5, %get3A_6] : memref<2x1024x128xf32, #tpu.memory_space<vmem>>, vector<1x1024x128xf32>
    %get3A_8 = vector.shape_cast %get3A_7 : vector<1x1024x128xf32> to vector<1024x128xf32>
    %add3A = arith.addf %get3A_3, %get3A_8 : vector<1024x128xf32>
    %get3A_9 = arith.constant 0 : index
    %get3A_10 = arith.constant 0 : index
    %get3A_11 = arith.constant 0 : index
    %get3A_12 = vector.load %arg2[%get3A_9, %get3A_10, %get3A_11] : memref<2x1024x128xf32, #tpu.memory_space<vmem>>, vector<1x1024x128xf32>
    %get3A_13 = vector.shape_cast %get3A_12 : vector<1x1024x128xf32> to vector<1024x128xf32>
    %get3A_14 = arith.constant 1 : index
    %get3A_15 = arith.constant 0 : index
    %get3A_16 = arith.constant 0 : index
    %get3A_17 = vector.load %arg2[%get3A_14, %get3A_15, %get3A_16] : memref<2x1024x128xf32, #tpu.memory_space<vmem>>, vector<1x1024x128xf32>
    %get3A_18 = vector.shape_cast %get3A_17 : vector<1x1024x128xf32> to vector<1024x128xf32>
    %add3A_19 = arith.addf %get3A_13, %get3A_18 : vector<1024x128xf32>
    %max3A = arith.constant 1.000000e+00 : f32
    %max3A_20 = vector.broadcast %max3A : f32 to vector<1024x128xf32>
    %max3A_21 = arith.maximumf %add3A_19, %max3A_20 : vector<1024x128xf32>
    %div3A = arith.constant 1.000000e+00 : f32
    %div3A_22 = vector.broadcast %div3A : f32 to vector<1024x128xf32>
    %div3A_23 = arith.divf %div3A_22, %max3A_21 : vector<1024x128xf32>
    %mul3A = arith.mulf %add3A, %div3A_23 : vector<1024x128xf32>
    %get3A_24 = arith.constant 0 : index
    %get3A_25 = arith.constant 0 : index
    %get3A_26 = vector.load %arg5[%get3A_24, %get3A_25] : memref<128x128xf32, #tpu.memory_space<vmem>>, vector<128x128xf32>
    %dot_general3A = arith.constant dense<0.000000e+00> : vector<1024x128xf32>
    %dot_general3A_27 = tpu.matmul %mul3A, %get3A_26, %dot_general3A {dimension_numbers = #tpu.dot_dimension_numbers<[1], [1], [0], [0], [0, 0, 1, 0], [], []>, transpose_lhs_hint = false} : vector<1024x128xf32>, vector<128x128xf32>, vector<1024x128xf32> -> vector<1024x128xf32>
    %get3A_28 = arith.constant 0 : index
    %get3A_29 = vector.load %arg6[%get3A_28] : memref<128xf32, #tpu.memory_space<vmem>>, vector<128xf32>
    %broadcast_in_dim3A = vector.shape_cast %get3A_29 : vector<128xf32> to vector<1x128xf32>
    %add3A_30 = vector.broadcast %broadcast_in_dim3A : vector<1x128xf32> to vector<1024x128xf32>
    %add3A_31 = arith.addf %dot_general3A_27, %add3A_30 : vector<1024x128xf32>
    %get3A_32 = arith.constant 0 : index
    %get3A_33 = arith.constant 0 : index
    %get3A_34 = vector.load %arg3[%get3A_32, %get3A_33] : memref<1024x128xf32, #tpu.memory_space<vmem>>, vector<1024x128xf32>
    %get3A_35 = arith.constant 0 : index
    %get3A_36 = arith.constant 0 : index
    %get3A_37 = vector.load %arg7[%get3A_35, %get3A_36] : memref<128x128xf32, #tpu.memory_space<vmem>>, vector<128x128xf32>
    %dot_general3A_38 = arith.constant dense<0.000000e+00> : vector<1024x128xf32>
    %dot_general3A_39 = tpu.matmul %get3A_34, %get3A_37, %dot_general3A_38 {dimension_numbers = #tpu.dot_dimension_numbers<[1], [1], [0], [0], [0, 0, 1, 0], [], []>, transpose_lhs_hint = false} : vector<1024x128xf32>, vector<128x128xf32>, vector<1024x128xf32> -> vector<1024x128xf32>
    %add3A_40 = arith.addf %add3A_31, %dot_general3A_39 : vector<1024x128xf32>
    %ge3A = arith.constant 0.000000e+00 : f32
    %ge3A_41 = vector.broadcast %ge3A : f32 to vector<1024x128xf32>
    %ge3A_42 = arith.cmpf oge, %add3A_40, %ge3A_41 : vector<1024x128xf32>
    %get3A_43 = arith.constant 0 : index
    %get3A_44 = vector.load %arg8[%get3A_43] : memref<128xf32, #tpu.memory_space<vmem>>, vector<128xf32>
    %broadcast_in_dim3A_45 = vector.shape_cast %get3A_44 : vector<128xf32> to vector<1x128xf32>
    %mul3A_46 = vector.broadcast %broadcast_in_dim3A_45 : vector<1x128xf32> to vector<1024x128xf32>
    %mul3A_47 = arith.mulf %mul3A_46, %add3A_40 : vector<1024x128xf32>
    %select_n3A = arith.select %ge3A_42, %add3A_40, %mul3A_47 : vector<1024x128xi1>, vector<1024x128xf32>
    %get3A_48 = arith.constant 0 : index
    %get3A_49 = arith.constant 0 : index
    %get3A_50 = vector.load %arg4[%get3A_48, %get3A_49] : memref<1024x128xf32, #tpu.memory_space<vmem>>, vector<1024x128xf32>
    %get3A_51 = arith.constant 0 : index
    %get3A_52 = arith.constant 0 : index
    %get3A_53 = vector.load %arg9[%get3A_51, %get3A_52] : memref<128x128xf32, #tpu.memory_space<vmem>>, vector<128x128xf32>
    %dot_general3A_54 = arith.constant dense<0.000000e+00> : vector<1024x128xf32>
    %dot_general3A_55 = tpu.matmul %get3A_50, %get3A_53, %dot_general3A_54 {dimension_numbers = #tpu.dot_dimension_numbers<[1], [1], [0], [0], [0, 0, 1, 0], [], []>, transpose_lhs_hint = false} : vector<1024x128xf32>, vector<128x128xf32>, vector<1024x128xf32> -> vector<1024x128xf32>
    %add3A_56 = arith.addf %select_n3A, %dot_general3A_55 : vector<1024x128xf32>
    %get3A_57 = arith.constant 0 : index
    %get3A_58 = vector.load %arg10[%get3A_57] : memref<128xf32, #tpu.memory_space<vmem>>, vector<128xf32>
    %broadcast_in_dim3A_59 = vector.shape_cast %get3A_58 : vector<128xf32> to vector<1x128xf32>
    %add3A_60 = vector.broadcast %broadcast_in_dim3A_59 : vector<1x128xf32> to vector<1024x128xf32>
    %add3A_61 = arith.addf %add3A_56, %add3A_60 : vector<1024x128xf32>
    %swap3A = arith.constant 0 : index
    %swap3A_62 = arith.constant 0 : index
    %swap3A_63 = vector.load %arg11[%swap3A, %swap3A_62] : memref<1024x128xf32, #tpu.memory_space<vmem>>, vector<1024x128xf32>
    tpu.vector_store %arg11[%swap3A, %swap3A_62], %add3A_61 {strides = array<i32>} : memref<1024x128xf32, #tpu.memory_space<vmem>>, vector<1024x128xf32>,
    return
  }
  func.func @transform_0(%arg0: i32) -> (i32, i32, i32) {
    %c0_i32 = arith.constant 0 : i32
    %c0_i32_0 = arith.constant 0 : i32
    %c0_i32_1 = arith.constant 0 : i32
    return %c0_i32, %arg0, %c0_i32_0 : i32, i32, i32
  }
  func.func @transform_1(%arg0: i32) -> (i32, i32, i32) {
    %c0_i32 = arith.constant 0 : i32
    %c0_i32_0 = arith.constant 0 : i32
    %c0_i32_1 = arith.constant 0 : i32
    return %c0_i32, %arg0, %c0_i32_0 : i32, i32, i32
  }
  func.func @transform_2(%arg0: i32) -> (i32, i32) {
    %c0_i32 = arith.constant 0 : i32
    %c0_i32_0 = arith.constant 0 : i32
    return %arg0, %c0_i32 : i32, i32
  }
  func.func @transform_3(%arg0: i32) -> (i32, i32) {
    %c0_i32 = arith.constant 0 : i32
    %c0_i32_0 = arith.constant 0 : i32
    return %arg0, %c0_i32 : i32, i32
  }
  func.func @transform_4(%arg0: i32) -> (i32, i32) {
    %c0_i32 = arith.constant 0 : i32
    %c0_i32_0 = arith.constant 0 : i32
    %c0_i32_1 = arith.constant 0 : i32
    return %c0_i32, %c0_i32_0 : i32, i32
  }
  func.func @transform_5(%arg0: i32) -> i32 {
    %c0_i32 = arith.constant 0 : i32
    %c0_i32_0 = arith.constant 0 : i32
    return %c0_i32 : i32
  }
  func.func @transform_6(%arg0: i32) -> (i32, i32) {
    %c0_i32 = arith.constant 0 : i32
    %c0_i32_0 = arith.constant 0 : i32
    %c0_i32_1 = arith.constant 0 : i32
    return %c0_i32, %c0_i32_0 : i32, i32
  }
  func.func @transform_7(%arg0: i32) -> i32 {
    %c0_i32 = arith.constant 0 : i32
    %c0_i32_0 = arith.constant 0 : i32
    return %c0_i32 : i32
  }
  func.func @transform_8(%arg0: i32) -> (i32, i32) {
    %c0_i32 = arith.constant 0 : i32
    %c0_i32_0 = arith.constant 0 : i32
    %c0_i32_1 = arith.constant 0 : i32
    return %c0_i32, %c0_i32_0 : i32, i32
  }
  func.func @transform_9(%arg0: i32) -> i32 {
    %c0_i32 = arith.constant 0 : i32
    %c0_i32_0 = arith.constant 0 : i32
    return %c0_i32 : i32
  }
  func.func @transform_10(%arg0: i32) -> (i32, i32) {
    %c0_i32 = arith.constant 0 : i32
    %c0_i32_0 = arith.constant 0 : i32
    return %arg0, %c0_i32 : i32, i32
  }
}

</mosaic_0001>

<sc_bundles>
// kernel: kernel.10.cloned.1.call-start
scs
__scs_entry_jumppad:
0x0: {  	(pc) =	sbr.rel $0x88, $3  }
0x1: {  	(tag) =	ssettag $0x0;
	lr =	simm.s32 $0x1  }
0x2: {  	[smem:$0x3F93] =	sst lr;
	_ =	strace $0xD0000000  }
0x3: {  	_ = 	snop  }
0x4: {  	_ = 	snop  }
0x5: {  	_ = 	snop  }
0x6: {  	_ = 	snop  }
0x7: {  	_ = 	snop  }
__scs_overlays_trampoline_lowered:
0x8: {  	[smem:$0x3FA2] =	sst s0  }
0x9: {  	[smem:$0x3FA3] =	sst s1  }
0xa: {  	[smem:$0x3FA4] =	sst s2  }
0xb: {  	[smem:$0x3FA5] =	sst s3  }
0xc: {  	[smem:$0x3FA6] =	sst s4  }
0xd: {  	[smem:$0x3FA7] =	sst s5  }
0xe: {  	[smem:$0x3FA8] =	sst s6  }
0xf: {  	[smem:$0x3FA9] =	sst s7  }
0x10: {  	[smem:$0x3FAA] =	sst s8  }
0x11: {  	[smem:$0x3FAB] =	sst s9;
	s0 =	simm.s32 @!p0 $0x0  }
0x12: {  	s1 =	sld [smem:$0x3F91];
	s0 =	simm.s32 @p0 $0x1  }
0x13: {  	[smem:$0x3FAC] =	sst s0;
	s0 =	simm.s32 @!p1 $0x0  }
0x14: {  	s2 =	sld [smem:$0x3F90];
	s0 =	simm.s32 @p1 $0x1  }
0x15: {  	[smem:$0x3FAD] =	sst s0;
	s0 =	simm.s32 @!p2 $0x0  }
0x16: {  	s3 =	sld [smem:$0x3FDB];
	s0 =	simm.s32 @p2 $0x1  }
0x17: {  	s4 =	simm.s32 $0x1BF5;
	[smem:$0x3FAF] =	sst s0  }
0x18: {  	s0 =	sld [smem:$0x3F92];
	_ =	swait.ge [sflag:s4], $0x0  }
0x19: {  	s7 =	sld [smem:$0x3F93]  }
0x1a: {  	s8 =	sadd.s32 $0xFFFFE003, lr  }
0x1b: {  	s9 =	sadd.s32 $0xFFFFFEF7, lr;
	s5 =	simm.s32 $0xFFFFFFFF;
	p2 =	slt.u32 s8, $0xFFFFF086  }
0x1c: {  	p1 =	slt.u32 s9, $0xF7A;
	s5 =	simm.s32 @!p2 $0x0  }
0x1d: {  	s5 =	simm.s32 @p1 $0x1;
	p0 =	seq.s32 s7, s2  }
0x1e: {  	s7 =	smul.u32 @!p0 $0xF7A, s2;
	p2 =	seq.s32 @!p0 s5, $0x0  }
0x1f: {  	s9 =	smul.u32 $0xF7A, s1;
	s8 =	simm.s32 @!p0 $0x1BF5;
	p2 =	por !p2, p0  }
0x20: {  	[sflag:s8] =	ssyncset.s32 @!p0 $0xFFFFF086;
	s6 =	sadd.s32 @!p0 s3, s7;
	s7 =	simm.s32 @!p0 $0x108  }
0x21: {  	s3 =	sadd.s32 s3, s9;
	s6 =	sadd.s32 @!p0 $0x88, s6;
	s7 =	simm.s32 @p2 $0x1082  }
0x22: {  	[simem:s7], [sflag:s8] =	dma.local @!p0 [hbm:s6], $0xF7A  }
0x23: {  	s9 =	sor.u32 $0xD0000000, s2;
	s6 =	simm.s32 $0x108;
	_ =	swait.ge @!p0 [sflag:s8], $0x0  }
0x24: {  	s3 =	sadd.s32 $0x88, s3;
	s6 =	simm.s32 @!p1 $0x1082;
	[sflag:s4] =	ssyncset.s32 $0xFFFFF086  }
0x25: {  	[simem:s6], [sflag:s4] =	dma.local [hbm:s3], $0xF7A  }
0x26: {  	[smem:$0x3F93] =	sst s1;
	(tag) =	ssettag s2;
	_ =	strace s9  }
0x27: {  	s1 =	sld [smem:$0x3FA3]  }
0x28: {  	s2 =	sld [smem:$0x3FA4]  }
0x29: {  	s4 =	sld [smem:$0x3FA6]  }
0x2a: {  	p0 =	seq.s32 s5, $0x0;
	s5 =	sld [smem:$0x3FA7]  }
0x2b: {  	s6 =	sld [smem:$0x3FA8]  }
0x2c: {  	s7 =	sld [smem:$0x3FA9]  }
0x2d: {  	s3 =	simm.s32 $0x108;
	s8 =	sld [smem:$0x3FAA]  }
0x2e: {  	s3 =	simm.s32 @!p0 $0x1082;
	s9 =	sld [smem:$0x3FAB]  }
0x2f: {  	lr =	sadd.s32 s0, s3;
	s0 =	sld [smem:$0x3FA2]  }
0x30: {  	s3 =	sld [smem:$0x3FA5]  }
0x31: {  	[smem:$0x3FAE] =	sst s10  }
0x32: {  	s10 =	sld [smem:$0x3FAC];
	_ =	sdelay $0x3  }
0x33: {  	p0 =	seq.s32 s10, $0x1;
	s10 =	sld [smem:$0x3FAE];
	_ =	sdelay $0x3  }
0x34: {  	[smem:$0x3FAE] =	sst s10  }
0x35: {  	s10 =	sld [smem:$0x3FAD];
	_ =	sdelay $0x3  }
0x36: {  	p1 =	seq.s32 s10, $0x1;
	s10 =	sld [smem:$0x3FAE];
	_ =	sdelay $0x3  }
0x37: {  	[smem:$0x3FAE] =	sst s10  }
0x38: {  	s10 =	sld [smem:$0x3FAF]  }
0x39: {  	_ = 	snop;
	(pc) =	sbr.ind lr, $3  }
0x3a: {  	_ = 	snop  }
0x3b: {  	_ = 	snop  }
0x3c: {  	p2 =	seq.s32 s10, $0x1;
	s10 =	sld [smem:$0x3FAE]  }
0x3d: {  	_ =	shalt  }
0x3e: {  	_ =	shalt  }
0x3f: {  	_ =	shalt  }
0x40: {  	_ =	shalt  }
0x41: {  	_ =	shalt  }
0x42: {  	_ =	shalt  }
0x43: {  	_ =	shalt  }
0x44: {  	_ =	shalt  }
0x45: {  	_ =	shalt  }
0x46: {  	_ =	shalt  }
0x47: {  	_ =	shalt  }
0x48: {  	_ =	shalt  }
0x49: {  	_ =	shalt  }
0x4a: {  	_ =	shalt  }
0x4b: {  	_ =	shalt  }
0x4c: {  	_ =	shalt  }
0x4d: {  	_ =	shalt  }
0x4e: {  	_ =	shalt  }
0x4f: {  	_ =	shalt  }
0x50: {  	_ =	shalt  }
0x51: {  	_ =	shalt  }
0x52: {  	_ =	shalt  }
0x53: {  	_ =	shalt  }
0x54: {  	_ =	shalt  }
0x55: {  	_ =	shalt  }
0x56: {  	_ =	shalt  }
0x57: {  	_ =	shalt  }
0x58: {  	_ =	shalt  }
0x59: {  	_ =	shalt  }
0x5a: {  	_ =	shalt  }
0x5b: {  	_ =	shalt  }
0x5c: {  	_ =	shalt  }
0x5d: {  	_ =	shalt  }
0x5e: {  	_ =	shalt  }
0x5f: {  	_ =	shalt  }
0x60: {  	_ =	shalt  }
0x61: {  	_ =	shalt  }
0x62: {  	_ =	shalt  }
0x63: {  	_ =	shalt  }
0x64: {  	_ =	shalt  }
0x65: {  	_ =	shalt  }
0x66: {  	_ =	shalt  }
0x67: {  	_ =	shalt  }
0x68: {  	_ =	shalt  }
0x69: {  	_ =	shalt  }
0x6a: {  	_ =	shalt  }
0x6b: {  	_ =	shalt  }
0x6c: {  	_ =	shalt  }
0x6d: {  	_ =	shalt  }
0x6e: {  	_ =	shalt  }
0x6f: {  	_ =	shalt  }
0x70: {  	_ =	shalt  }
0x71: {  	_ =	shalt  }
0x72: {  	_ =	shalt  }
0x73: {  	_ =	shalt  }
0x74: {  	_ =	shalt  }
0x75: {  	_ =	shalt  }
0x76: {  	_ =	shalt  }
0x77: {  	_ =	shalt  }
0x78: {  	_ =	shalt  }
0x79: {  	_ =	shalt  }
0x7a: {  	_ =	shalt  }
0x7b: {  	_ =	shalt  }
0x7c: {  	_ =	shalt  }
0x7d: {  	_ =	shalt  }
0x7e: {  	_ =	shalt  }
0x7f: {  	_ =	shalt  }
0x80: {  	_ =	shalt  }
0x81: {  	_ =	shalt  }
0x82: {  	_ =	shalt  }
0x83: {  	_ =	shalt  }
0x84: {  	_ =	shalt  }
0x85: {  	_ =	shalt  }
0x86: {  	_ =	shalt  }
0x87: {  	_ =	shalt  }
.Lfunc_end0:
.L_simem_size_0:
called_computation.1_lowered:
.L_overlay_start_0:
0x88: {  	s2 =	sld [smem:$0x3FD9]  }
0x89: {  	s3 =	sld [smem:$0x3FFE];
	_ =	sdelay $0x1  }
0x8a: {  	s1 =	srdreg.scid  }
0x8b: {  	s0 =	sand.u32 $0x1, s1  }
0x8c: {  	s17 =	sshll.u32 s0, $0xA;
	s2 =	sadd.s32 s3, s2  }
0x8d: {  	s2 =	sadd.s32 s2, s17  }
0x8e: {  	[smem:$0x3FBA] =	sst s2  }
0x8f: {  	_ = 	snop  }
0x90: {  	s2 =	sld [smem:$0x3FD0];
	(tm) =	ssettm $0x1  }
0x91: {  	s18 =	sld [smem:$0x3FFB];
	_ =	sdelay $0x3  }
0x92: {  	_ =	strace s18  }
0x93: {  	s3 =	sld [smem:$0x3FFC];
	_ =	sdelay $0x3  }
0x94: {  	_ =	strace s3  }
0x95: {  	s3 =	sld [smem:$0x3FFD];
	_ =	sdelay $0x3  }
0x96: {  	_ =	strace s3  }
0x97: {  	_ =	strace $0x8FFFFFFF  }
0x98: {  	s19 =	sld [smem:$0x3FDB];
	_ =	sdelay $0x1  }
0x99: {  	s4 =	simm.s32 $_scs_section_size  }
0x9a: {  	s5 =	simm.s32 $_size__tile_overlayer_lowered;
	s6 =	simm.s32 $_tile_overlayer_lowered  }
0x9b: {  	s22 =	simm.s32 $0x1BFF;
	s21 =	sshll.u32 s6, $0x1;
	s3 =	sadd.s32 s4, s19  }
0x9c: {  	s7 =	simm.s32 $0x0;
	s20 =	sshll.u32 s5, $0x1;
	s5 =	sadd.s32 s21, s3  }
0x9d: {  	[timem:s7], [sflag:s22] =	dma.local [hbm:s5], s20  }
0x9e: {  	_ =	swait.ge [sflag:s22], s20  }
0x9f: {  	s4 =	ssub.s32 $0x0, s20;
	[sflag:s22] =	ssyncset.done $0x0  }
0xa0: {  	[sflag:s22] =	ssyncadd.s32 s4;
	_ =	sdelay $0x1  }
0xa1: {  	s23 =	simm.s32 $0x1B8B  }
0xa2: {  	_ =	swait.ge [sflag:s23], $0x1  }
0xa3: {  	[sflag:s23] =	ssyncset.done $0x0  }
0xa4: {  	s25 =	simm.s32 $0x1B8E;
	s24 =	sld [smem:$0x3FFE];
	[sflag:s23] =	ssyncadd.s32 $0xFFFFFFFF  }
0xa5: {  	s26 =	simm.s32 $execute0_lowered;
	[smem:$0x3FD2] =	sst s25  }
0xa6: {  	s5 =	sshll.u32 s26, $0x1;
	_ =	strace $0x80000046;
	[dreg:$0x1] =	wrdreg $0xFFFFFFFF  }
0xa7: {  	s28 =	simm.s32 $_size_execute0_lowered;
	s3 =	sadd.s32 s3, s5;
	[dreg:$0x0] =	wrdreg $0x0  }
0xa8: {  	s5 =	sshll.u32 s28, $0x1;
	[dreg:$0x2] =	wrdreg s3  }
0xa9: {  	[dreg:$0x3] =	wrdreg s5  }
0xaa: {  	[dreg:$0x4] =	wrdreg $0xC0  }
0xab: {  	_ =	task [dreg:s7], $0x5FFFF  }
0xac: {  	[dreg:$0x1] =	wrdreg $0xFFFFFFFF  }
0xad: {  	[dreg:$0x0] =	wrdreg $0x60  }
0xae: {  	[dreg:$0x2] =	wrdreg s24  }
0xaf: {  	[dreg:$0x3] =	wrdreg s2  }
0xb0: {  	[dreg:$0x4] =	wrdreg $0xA2000  }
0xb1: {  	[dreg:$0x5] =	wrdreg $0xA  }
0xb2: {  	_ =	task.clear_ibuf [dreg:s7], $0x6FFFF;
	_ =	strace $0x90000046  }
0xb3: {  	s29 =	simm.s32 $0xA;
	_ =	strace $0x80000048  }
0xb4: {  	_ =	swait.ge [sflag:s29], $0x1  }
0xb5: {  	[sflag:s29] =	ssyncadd.s32 $0xFFFFFFFF  }
0xb6: {  	_ =	strace $0x90000048  }
0xb7: {  	_ =	sfence  }
0xb8: {  	s30 =	sld [smem:$0x0];
	_ =	sdelay $0x2  }
0xb9: {  	s31 =	sshll.u32 s1, $0xD;
	s1 =	sshrl.u32 s1, $0x2  }
0xba: {  	s3 =	sand.u32 $0x4000, s31;
	s1 =	sadd.s32 s1, s30  }
0xbb: {  	s0 =	sor.u32 s3, s0;
	s1 =	sshll.u32 s1, $0x11  }
0xbc: {  	s0 =	sor.u32 s1, s0  }
0xbd: {  	s0 =	sadd.s32 $0x8F2B, s0  }
0xbe: {  	[sflag:s0] =	ssyncadd.remote.s32 $0x1  }
0xbf: {  	_ =	sfence.sel $0xFFFF  }
0xc0: {  	[dreg:$0x0] =	wrdreg $0xFFFFFFFF;
	(pc) =	sbr.abs _section_cstart, $3  }
0xc1: {  	[dreg:$0x1] =	wrdreg $0xFFFFFFFF  }
0xc2: {  	_ =	task.clear_ibuf [dreg:s7], $0x2FFFF;
	_ =	strace $0x9FFFFFFF  }
0xc3: {  	(tm) =	ssettm $0x7FFFFFFF  }
tec
execute0_lowered:
.L_overlay_start_1:
0x0: {  	(tag) =	ssettag $0x1  }
0x1: {  	s0 =	rddreg [dreg:$0x0]  }
0x2: {  	s1 =	rddreg [dreg:$0x1]  }
0x3: {  	s2 =	rddreg [dreg:$0x2];
	s4 =	srdreg.scid;
	s3 =	simm.s32 $0x0  }
0x4: {  	s10 =	stileid.u32;
	s28 =	simm.s32 $0x7;
	s29 =	simm.s32 $0x100  }
0x5: {  	s30 =	simm.s32 $0x80;
	s31 =	simm.s32 $0x180;
	s11 =	simm.s32 $0x4  }
0x6: {  	s12 =	simm.s32 $0x0;
	s5 =	sand.u32 $0x1, s4;
	s6 =	smul.u32 $0x2800, s10  }
0x7: {  	[smem:$0x7FF] =	sst s3;
	s9 =	sadd.s32 $0x2C00, s0;
	s14 =	smul.u32 $0x50000, s10  }
0x8: {  	s15 =	sadd.s32 $0x34C00, s0;
	s4 =	sshll.u32 s5, $0x4;
	_ =	strace $0x80000047  }
0x9: {  	s7 =	smul.u32 $0x28000, s5;
	s5 =	ssub.s32 $0x2, s5;
	[dreg:$0x4] =	wrdreg s15  }
0xa: {  	s8 =	sor.u32 s10, s4;
	s4 =	sadd.s32 $0xCC00, s0;
	s16 =	sshrl.u32 s5, $0x1  }
0xb: {  	s10 =	simm.s32 $0x6;
	s8 =	smul.u32 $0x2800, s8;
	s7 =	sadd.s32 s6, s7  }
0xc: {  	s5 =	ssub.s32 s5, s16;
	s6 =	sshrl.u32 s14, $0x2;
	s0 =	sadd.s32 s7, s0  }
0xd: {  	s6 =	sadd.s32 s6, s2;
	s21 =	smax.u32 s5, $0x1;
	s25 =	sor.u32 $0x180, s7  }
0xe: {  	s26 =	sor.u32 $0x100, s7;
	s7 =	simm.s32 $0x4200;
	s8 =	sshrl.u32 s8, $0x3  }
0xf: {  	s0 =	sadd.s32 $0x35000, s0;
	[dreg:$0xa] =	wrdreg s21;
	s22 =	sadd.s32 $0x2000, s6  }
0x10: {  	s23 =	sadd.s32 $0x4000, s6;
	s24 =	sadd.s32 $0x6000, s6;
	[dreg:$0x9] =	wrdreg s0  }
0x11: {  	s16 =	sadd.s32 $0x8000, s6;
	s5 =	sshrl.u32 s26, $0x3;
	[dreg:$0xb] =	wrdreg s22  }
0x12: {  	s26 =	simm.s32 $0x8200;
	s17 =	sadd.s32 s1, s8;
	[dreg:$0xc] =	wrdreg s23  }
0x13: {  	s18 =	sor.u32 $0x10, s8;
	s8 =	sadd.s32 s9, s8;
	[dreg:$0xd] =	wrdreg s24  }
0x14: {  	s0 =	sshrl.u32 s25, $0x3;
	s23 =	sadd.s32 s5, s9;
	s24 =	sadd.s32 s5, s1  }
0x15: {  	s25 =	sadd.s32 $0x12000, s6;
	s5 =	simm.s32 $0x2;
	[dreg:$0x5] =	wrdreg s17  }
0x16: {  	[dreg:$0x6] =	wrdreg s8;
	s19 =	sadd.s32 s1, s18;
	s20 =	sadd.s32 s9, s18  }
0x17: {  	s17 =	sadd.s32 $0xA000, s6;
	s18 =	sadd.s32 $0xC000, s6;
	s21 =	sadd.s32 s0, s9  }
0x18: {  	s22 =	sadd.s32 s0, s1;
	s0 =	simm.s32 $0x1;
	s1 =	simm.s32 $0x200  }
0x19: {  	s8 =	simm.s32 $0x5;
	s9 =	simm.s32 $0x3;
	[dreg:$0x7] =	wrdreg s19  }
0x1a: {  	[dreg:$0x8] =	wrdreg s20;
	s19 =	sadd.s32 $0xE000, s6;
	s20 =	sadd.s32 $0x10000, s6  }
.LBB2_1:
0x1b: {  	s13 =	rddreg [dreg:$0x4]  }
0x1c: {  	[tilespmem:s26], [sflag:$0x7] =	stream.linear.gather [hbm4b:s13+s3], $0x2000, $0x38;
	[tilespmem:$0x1E200] =	vst v63  }
0x1d: {  	_ =	swait.ge [sflag:s28], $0x2000  }
0x1e: {  	[sflag:s28] =	ssyncset.done $0x0  }
0x1f: {  	[sflag:s28] =	ssyncadd.s32 $0xFFFFE000  }
0x20: {  	[spmem:s6] =	stream.linear.scatter [tilespmem:s26], [sflag:$0x7], $0x2000, $0x38;
	[tilespmem:$0x1E200] =	vst v63  }
0x21: {  	_ =	swait.ge [sflag:s28], $0x2000  }
0x22: {  	[sflag:s28] =	ssyncset.done $0x0  }
0x23: {  	s14 =	rddreg [dreg:$0xb];
	[sflag:s28] =	ssyncadd.s32 $0xFFFFE000  }
0x24: {  	[spmem:s14] =	stream.linear.scatter [tilespmem:s26], [sflag:$0x7], $0x2000, $0x38;
	[tilespmem:$0x1E200] =	vst v63  }
0x25: {  	_ =	swait.ge [sflag:s28], $0x2000  }
0x26: {  	[sflag:s28] =	ssyncset.done $0x0  }
0x27: {  	s15 =	rddreg [dreg:$0xc];
	[sflag:s28] =	ssyncadd.s32 $0xFFFFE000  }
0x28: {  	[spmem:s15] =	stream.linear.scatter [tilespmem:s26], [sflag:$0x7], $0x2000, $0x38;
	[tilespmem:$0x1E200] =	vst v63  }
0x29: {  	_ =	swait.ge [sflag:s28], $0x2000  }
0x2a: {  	[sflag:s28] =	ssyncset.done $0x0  }
0x2b: {  	s14 =	rddreg [dreg:$0xd];
	[sflag:s28] =	ssyncadd.s32 $0xFFFFE000  }
0x2c: {  	[spmem:s14] =	stream.linear.scatter [tilespmem:s26], [sflag:$0x7], $0x2000, $0x38;
	[tilespmem:$0x1E200] =	vst v63  }
0x2d: {  	_ =	swait.ge [sflag:s28], $0x2000  }
0x2e: {  	[sflag:s28] =	ssyncset.done $0x0  }
0x2f: {  	[sflag:s28] =	ssyncadd.s32 $0xFFFFE000  }
0x30: {  	[spmem:s16] =	stream.linear.scatter [tilespmem:s26], [sflag:$0x7], $0x2000, $0x38;
	[tilespmem:$0x1E200] =	vst v63  }
0x31: {  	_ =	swait.ge [sflag:s28], $0x2000  }
0x32: {  	[sflag:s28] =	ssyncset.done $0x0  }
0x33: {  	[sflag:s28] =	ssyncadd.s32 $0xFFFFE000  }
0x34: {  	[spmem:s17] =	stream.linear.scatter [tilespmem:s26], [sflag:$0x7], $0x2000, $0x38;
	[tilespmem:$0x1E200] =	vst v63  }
0x35: {  	_ =	swait.ge [sflag:s28], $0x2000  }
0x36: {  	[sflag:s28] =	ssyncset.done $0x0  }
0x37: {  	[sflag:s28] =	ssyncadd.s32 $0xFFFFE000  }
0x38: {  	[spmem:s18] =	stream.linear.scatter [tilespmem:s26], [sflag:$0x7], $0x2000, $0x38;
	[tilespmem:$0x1E200] =	vst v63  }
0x39: {  	_ =	swait.ge [sflag:s28], $0x2000  }
0x3a: {  	[sflag:s28] =	ssyncset.done $0x0  }
0x3b: {  	[sflag:s28] =	ssyncadd.s32 $0xFFFFE000  }
0x3c: {  	[spmem:s19] =	stream.linear.scatter [tilespmem:s26], [sflag:$0x7], $0x2000, $0x38;
	[tilespmem:$0x1E200] =	vst v63  }
0x3d: {  	_ =	swait.ge [sflag:s28], $0x2000  }
0x3e: {  	[sflag:s28] =	ssyncset.done $0x0  }
0x3f: {  	[sflag:s28] =	ssyncadd.s32 $0xFFFFE000  }
0x40: {  	[spmem:s20] =	stream.linear.scatter [tilespmem:s26], [sflag:$0x7], $0x2000, $0x38;
	[tilespmem:$0x1E200] =	vst v63  }
0x41: {  	_ =	swait.ge [sflag:s28], $0x2000  }
0x42: {  	[sflag:s28] =	ssyncset.done $0x0  }
0x43: {  	[sflag:s28] =	ssyncadd.s32 $0xFFFFE000  }
0x44: {  	[spmem:s25] =	stream.linear.scatter [tilespmem:s26], [sflag:$0x7], $0x2000, $0x38;
	[tilespmem:$0x1E200] =	vst v63  }
0x45: {  	_ =	swait.ge [sflag:s28], $0x2000  }
0x46: {  	[sflag:s28] =	ssyncset.done $0x0  }
0x47: {  	[sflag:s28] =	ssyncadd.s32 $0xFFFFE000  }
0x48: {  	[bflag:$0x0] =	sbarrier.arrive $0xFFFF  }
0x49: {  	s15 =	rddreg [dreg:$0x5]  }
0x4a: {  	[tilespmem:s3], [sflag:$0x1] =	stream.linear.gather [hbm4b:s15+s3], $0x80, $0x38;
	[tilespmem:$0x1E200] =	vst v63  }
0x4b: {  	s14 =	rddreg [dreg:$0x6]  }
0x4c: {  	[tilespmem:s29], [sflag:$0x3] =	stream.linear.gather [hbm4b:s14+s3], $0x80, $0x38;
	[tilespmem:$0x1E200] =	vst v63  }
0x4d: {  	s15 =	rddreg [dreg:$0x7]  }
0x4e: {  	[tilespmem:s30], [sflag:$0x2] =	stream.linear.gather [hbm4b:s15+s3], $0x80, $0x38;
	[tilespmem:$0x1E200] =	vst v63  }
0x4f: {  	s14 =	rddreg [dreg:$0x8]  }
0x50: {  	[tilespmem:s31], [sflag:$0x4] =	stream.linear.gather [hbm4b:s14+s3], $0x80, $0x38;
	[tilespmem:$0x1E200] =	vst v63  }
0x51: {  	_ =	swait.ge [sflag:s0], $0x80  }
0x52: {  	[sflag:s0] =	ssyncset.done $0x0  }
0x53: {  	[sflag:s0] =	ssyncadd.s32 $0xFFFFFF80  }
0x54: {  	[tilespmem:s1], [sflag:$0x5] =	stream.indirect.gather [hbm4b:s4+s30], $0x80, s3, s30, $0xb8;
	[tilespmem:$0x1E200] =	vst v63  }
0x55: {  	_ =	swait.ge [sflag:s5], $0x80  }
0x56: {  	[sflag:s5] =	ssyncset.done $0x0  }
0x57: {  	[sflag:s5] =	ssyncadd.s32 $0xFFFFFF80  }
0x58: {  	[tilespmem:s7], [sflag:$0x6] =	stream.indirect.gather [hbm4b:s4+s30], $0x80, s30, s30, $0xb8;
	[tilespmem:$0x1E200] =	vst v63  }
0x59: {  	_ =	swait.ge [sflag:s8], $0x4000  }
0x5a: {  	[sflag:s8] =	ssyncset.done $0x0  }
0x5b: {  	[sflag:s8] =	ssyncadd.s32 $0xFFFFC000  }
0x5c: {  	_ =	swait.ge [sflag:s9], $0x80  }
0x5d: {  	[sflag:s9] =	ssyncset.done $0x0  }
0x5e: {  	[sflag:s9] =	ssyncadd.s32 $0xFFFFFF80  }
0x5f: {  	[spmem:s2] =	stream.indirect.scatter.add.f32 [tilespmem:s1], [sflag:$0x7], $0x80, s29, s30, $0xb8;
	[tilespmem:$0x1E200] =	vst v63  }
0x60: {  	_ =	swait.ge [sflag:s28], $0x4000  }
0x61: {  	[sflag:s28] =	ssyncset.done $0x0  }
0x62: {  	s15 =	sadd.s32 $0x0, s24;
	[sflag:s28] =	ssyncadd.s32 $0xFFFFC000  }
0x63: {  	[tilespmem:s3], [sflag:$0x1] =	stream.linear.gather [hbm4b:s15+s3], $0x80, $0x38;
	[tilespmem:$0x1E200] =	vst v63  }
0x64: {  	s14 =	sadd.s32 $0x0, s23  }
0x65: {  	[tilespmem:s29], [sflag:$0x3] =	stream.linear.gather [hbm4b:s14+s3], $0x80, $0x38;
	[tilespmem:$0x1E200] =	vst v63  }
0x66: {  	_ =	swait.ge [sflag:s10], $0x4000  }
0x67: {  	[sflag:s10] =	ssyncset.done $0x0  }
0x68: {  	[sflag:s10] =	ssyncadd.s32 $0xFFFFC000  }
0x69: {  	_ =	swait.ge [sflag:s11], $0x80  }
0x6a: {  	[sflag:s11] =	ssyncset.done $0x0  }
0x6b: {  	[sflag:s11] =	ssyncadd.s32 $0xFFFFFF80  }
0x6c: {  	[spmem:s2] =	stream.indirect.scatter.add.f32 [tilespmem:s7], [sflag:$0x7], $0x80, s31, s30, $0xb8;
	[tilespmem:$0x1E200] =	vst v63  }
0x6d: {  	_ =	swait.ge [sflag:s28], $0x4000  }
0x6e: {  	s13 =	simm.s32 $0x20;
	[sflag:s28] =	ssyncset.done $0x0  }
0x6f: {  	s15 =	sadd.s32 $0x0, s22;
	s14 =	sadd.s32 $0x0, s21;
	[sflag:s28] =	ssyncadd.s32 $0xFFFFC000  }
0x70: {  	[tilespmem:s30], [sflag:$0x2] =	stream.linear.gather [hbm4b:s15+s3], $0x80, $0x38;
	[tilespmem:$0x1E200] =	vst v63  }
.LBB2_2:
0x71: {  	[tilespmem:s31], [sflag:$0x4] =	stream.linear.gather [hbm4b:s14+s3], $0x80, $0x38;
	[tilespmem:$0x1E200] =	vst v63  }
0x72: {  	s14 =	smov.u32 s13  }
0x73: {  	p0 =	sne.s32 s13, $0x4C0;
	s13 =	sadd.s32 $0x20, s13;
	_ =	swait.ge [sflag:s0], $0x80  }
0x74: {  	[sflag:s0] =	ssyncset.done $0x0  }
0x75: {  	[sflag:s0] =	ssyncadd.s32 $0xFFFFFF80  }
0x76: {  	[tilespmem:s1], [sflag:$0x5] =	stream.indirect.gather [hbm4b:s4+s30], $0x80, s3, s30, $0xb8;
	[tilespmem:$0x1E200] =	vst v63  }
0x77: {  	_ =	swait.ge [sflag:s5], $0x80  }
0x78: {  	[sflag:s5] =	ssyncset.done $0x0  }
0x79: {  	[sflag:s5] =	ssyncadd.s32 $0xFFFFFF80  }
0x7a: {  	[tilespmem:s7], [sflag:$0x6] =	stream.indirect.gather [hbm4b:s4+s30], $0x80, s30, s30, $0xb8;
	[tilespmem:$0x1E200] =	vst v63  }
0x7b: {  	_ =	swait.ge [sflag:s8], $0x4000  }
0x7c: {  	[sflag:s8] =	ssyncset.done $0x0  }
0x7d: {  	[sflag:s8] =	ssyncadd.s32 $0xFFFFC000  }
0x7e: {  	_ =	swait.ge [sflag:s9], $0x80  }
0x7f: {  	[sflag:s9] =	ssyncset.done $0x0  }
0x80: {  	[sflag:s9] =	ssyncadd.s32 $0xFFFFFF80  }
0x81: {  	[spmem:s2] =	stream.indirect.scatter.add.f32 [tilespmem:s1], [sflag:$0x7], $0x80, s29, s30, $0xb8;
	[tilespmem:$0x1E200] =	vst v63  }
0x82: {  	_ =	swait.ge [sflag:s28], $0x4000  }
0x83: {  	[sflag:s28] =	ssyncset.done $0x0  }
0x84: {  	s15 =	sadd.s32 s14, s24;
	[sflag:s28] =	ssyncadd.s32 $0xFFFFC000  }
0x85: {  	[tilespmem:s3], [sflag:$0x1] =	stream.linear.gather [hbm4b:s15+s3], $0x80, $0x38;
	[tilespmem:$0x1E200] =	vst v63  }
0x86: {  	s15 =	sadd.s32 s14, s23  }
0x87: {  	[tilespmem:s29], [sflag:$0x3] =	stream.linear.gather [hbm4b:s15+s3], $0x80, $0x38;
	[tilespmem:$0x1E200] =	vst v63  }
0x88: {  	_ =	swait.ge [sflag:s10], $0x4000  }
0x89: {  	[sflag:s10] =	ssyncset.done $0x0  }
0x8a: {  	[sflag:s10] =	ssyncadd.s32 $0xFFFFC000  }
0x8b: {  	_ =	swait.ge [sflag:s11], $0x80  }
0x8c: {  	[sflag:s11] =	ssyncset.done $0x0  }
0x8d: {  	[sflag:s11] =	ssyncadd.s32 $0xFFFFFF80  }
0x8e: {  	[spmem:s2] =	stream.indirect.scatter.add.f32 [tilespmem:s7], [sflag:$0x7], $0x80, s31, s30, $0xb8;
	[tilespmem:$0x1E200] =	vst v63  }
.Ltmp0:
0x8f: {  	_ =	swait.ge [sflag:s28], $0x4000;
	(pc) =	sbr.rel @p0 .LBB2_2-.Ltmp0, $4  }
0x90: {  	[sflag:s28] =	ssyncset.done $0x0  }
0x91: {  	s15 =	sadd.s32 s14, s22;
	[sflag:s28] =	ssyncadd.s32 $0xFFFFC000  }
0x92: {  	[tilespmem:s30], [sflag:$0x2] =	stream.linear.gather [hbm4b:s15+s3], $0x80, $0x38;
	[tilespmem:$0x1E200] =	vst v63  }
0x93: {  	s14 =	sadd.s32 s14, s21  }
0x94: {  	[tilespmem:s31], [sflag:$0x4] =	stream.linear.gather [hbm4b:s14+s3], $0x80, $0x38;
	[tilespmem:$0x1E200] =	vst v63  }
0x95: {  	_ =	swait.ge [sflag:s0], $0x80  }
0x96: {  	[sflag:s0] =	ssyncset.done $0x0  }
0x97: {  	[sflag:s0] =	ssyncadd.s32 $0xFFFFFF80  }
0x98: {  	[tilespmem:s1], [sflag:$0x5] =	stream.indirect.gather [hbm4b:s4+s30], $0x80, s3, s30, $0xb8;
	[tilespmem:$0x1E200] =	vst v63  }
0x99: {  	_ =	swait.ge [sflag:s5], $0x80  }
0x9a: {  	[sflag:s5] =	ssyncset.done $0x0  }
0x9b: {  	[sflag:s5] =	ssyncadd.s32 $0xFFFFFF80  }
0x9c: {  	[tilespmem:s7], [sflag:$0x6] =	stream.indirect.gather [hbm4b:s4+s30], $0x80, s30, s30, $0xb8;
	[tilespmem:$0x1E200] =	vst v63  }
0x9d: {  	_ =	swait.ge [sflag:s8], $0x4000  }
0x9e: {  	[sflag:s8] =	ssyncset.done $0x0  }
0x9f: {  	[sflag:s8] =	ssyncadd.s32 $0xFFFFC000  }
0xa0: {  	_ =	swait.ge [sflag:s9], $0x80  }
0xa1: {  	[sflag:s9] =	ssyncset.done $0x0  }
0xa2: {  	[sflag:s9] =	ssyncadd.s32 $0xFFFFFF80  }
0xa3: {  	[spmem:s2] =	stream.indirect.scatter.add.f32 [tilespmem:s1], [sflag:$0x7], $0x80, s29, s30, $0xb8;
	[tilespmem:$0x1E200] =	vst v63  }
0xa4: {  	_ =	swait.ge [sflag:s28], $0x4000  }
0xa5: {  	[sflag:s28] =	ssyncset.done $0x0  }
0xa6: {  	[sflag:s28] =	ssyncadd.s32 $0xFFFFC000  }
0xa7: {  	_ =	swait.ge [sflag:s10], $0x4000  }
0xa8: {  	[sflag:s10] =	ssyncset.done $0x0  }
0xa9: {  	[sflag:s10] =	ssyncadd.s32 $0xFFFFC000  }
0xaa: {  	_ =	swait.ge [sflag:s11], $0x80  }
0xab: {  	[sflag:s11] =	ssyncset.done $0x0  }
0xac: {  	[sflag:s11] =	ssyncadd.s32 $0xFFFFFF80  }
0xad: {  	[spmem:s2] =	stream.indirect.scatter.add.f32 [tilespmem:s7], [sflag:$0x7], $0x80, s31, s30, $0xb8;
	[tilespmem:$0x1E200] =	vst v63  }
0xae: {  	_ =	swait.ge [sflag:s28], $0x4000  }
0xaf: {  	[sflag:s28] =	ssyncset.done $0x0  }
0xb0: {  	s13 =	stileid.u32;
	[sflag:s28] =	ssyncadd.s32 $0xFFFFC000  }
0xb1: {  	s13 =	sshll.u32 s13, $0x6;
	[bflag:$0x0] =	sbarrier.arrive $0xFFFF  }
0xb2: {  	s14 =	sshrl.u32 s6, $0x3;
	s13 =	sor.u32 $0x1C07, s13;
	s15 =	rddreg [dreg:$0x9]  }
0xb3: {  	[hbm:s15], [sflag:s13] =	dma.local [spmem:s14], $0x2800  }
0xb4: {  	_ =	swait.ge [sflag:s28], $0x2800  }
0xb5: {  	s12 =	sadd.s32 $0x1, s12;
	s15 =	rddreg [dreg:$0xa]  }
0xb6: {  	p0 =	sne.s32 s12, s15  }
.Ltmp1:
0xb7: {  	_ = 	snop;
	(pc) =	sbr.rel @p0 .LBB2_1-.Ltmp1, $3  }
0xb8: {  	_ =	sdelay $0x1  }
0xb9: {  	[sflag:s28] =	ssyncset.done $0x0  }
0xba: {  	[sflag:s28] =	ssyncadd.s32 $0xFFFFD800  }
0xbb: {  	_ =	sfence.sel $0x180000  }
0xbc: {  	[bflag:$0x0] =	sbarrier.arrive $0xFFFF  }
0xbd: {  	_ =	strace $0x90000047  }
0xbe: {  	s0 =	stileid.u32;
	[bflag:$0x2] =	sbarrier.arrive $0xFFFF  }
0xbf: {  	p0 =	sne.s32 s0, $0x0;
	s0 =	rddreg [dreg:$0x3]  }
0xc0: {  	s0 =	sadd.s32 @!p0 $0x100000, s0  }
0xc1: {  	[sflag:s0] =	ssyncadd.tile.s32 @!p0 $0x1;
	_ =	shalt  }
.Lfunc_end2:
_tile_overlayer_lowered:
.L_overlay_start_2:
0xc2: {  	(tag) =	ssettag $0x2  }
0xc3: {  	s0 =	rddreg [dreg:$0x0];
	s2 =	stileid.u32  }
0xc4: {  	s1 =	rddreg [dreg:$0x1];
	p0 =	sne.s32 s2, $0x0  }
0xc5: {  	s3 =	rddreg [dreg:$0x2];
	[bflag:$0x3] =	sbarrier.arrive $0xFFFF;
	s2 =	simm.s32 @!p0 $0x1C07  }
0xc6: {  	[timem:s3], [sflag:s2] =	dma.local @!p0 [hbm:s0], s1  }
0xc7: {  	s0 =	simm.s32 @!p0 $0x7  }
0xc8: {  	_ =	swait.ge @!p0 [sflag:s0], s1  }
0xc9: {  	s1 =	ssub.s32 @!p0 $0x0, s1;
	[sflag:s0] =	ssyncset.done @!p0 $0x0  }
0xca: {  	[sflag:s0] =	ssyncadd.s32 @!p0 s1  }
0xcb: {  	[bflag:$0x3] =	sbarrier.arrive $0xFFFF  }
0xcc: {  	_ =	shalt  }

// kernel: kernel.13.cloned.1.call-start
scs
__scs_entry_jumppad:
0x0: {  	(pc) =	sbr.rel $0x88, $3  }
0x1: {  	(tag) =	ssettag $0x0;
	lr =	simm.s32 $0x1  }
0x2: {  	[smem:$0x3F93] =	sst lr;
	_ =	strace $0xD0000000  }
0x3: {  	_ = 	snop  }
0x4: {  	_ = 	snop  }
0x5: {  	_ = 	snop  }
0x6: {  	_ = 	snop  }
0x7: {  	_ = 	snop  }
__scs_overlays_trampoline_lowered:
0x8: {  	[smem:$0x3FA2] =	sst s0  }
0x9: {  	[smem:$0x3FA3] =	sst s1  }
0xa: {  	[smem:$0x3FA4] =	sst s2  }
0xb: {  	[smem:$0x3FA5] =	sst s3  }
0xc: {  	[smem:$0x3FA6] =	sst s4  }
0xd: {  	[smem:$0x3FA7] =	sst s5  }
0xe: {  	[smem:$0x3FA8] =	sst s6  }
0xf: {  	[smem:$0x3FA9] =	sst s7  }
0x10: {  	[smem:$0x3FAA] =	sst s8  }
0x11: {  	[smem:$0x3FAB] =	sst s9;
	s0 =	simm.s32 @!p0 $0x0  }
0x12: {  	s1 =	sld [smem:$0x3F91];
	s0 =	simm.s32 @p0 $0x1  }
0x13: {  	[smem:$0x3FAC] =	sst s0;
	s0 =	simm.s32 @!p1 $0x0  }
0x14: {  	s2 =	sld [smem:$0x3F90];
	s0 =	simm.s32 @p1 $0x1  }
0x15: {  	[smem:$0x3FAD] =	sst s0;
	s0 =	simm.s32 @!p2 $0x0  }
0x16: {  	s3 =	sld [smem:$0x3FDB];
	s0 =	simm.s32 @p2 $0x1  }
0x17: {  	s4 =	simm.s32 $0x1BF5;
	[smem:$0x3FAF] =	sst s0  }
0x18: {  	s0 =	sld [smem:$0x3F92];
	_ =	swait.ge [sflag:s4], $0x0  }
0x19: {  	s7 =	sld [smem:$0x3F93]  }
0x1a: {  	s8 =	sadd.s32 $0xFFFFE003, lr  }
0x1b: {  	s9 =	sadd.s32 $0xFFFFFEF7, lr;
	s5 =	simm.s32 $0xFFFFFFFF;
	p2 =	slt.u32 s8, $0xFFFFF086  }
0x1c: {  	p1 =	slt.u32 s9, $0xF7A;
	s5 =	simm.s32 @!p2 $0x0  }
0x1d: {  	s5 =	simm.s32 @p1 $0x1;
	p0 =	seq.s32 s7, s2  }
0x1e: {  	s7 =	smul.u32 @!p0 $0xF7A, s2;
	p2 =	seq.s32 @!p0 s5, $0x0  }
0x1f: {  	s9 =	smul.u32 $0xF7A, s1;
	s8 =	simm.s32 @!p0 $0x1BF5;
	p2 =	por !p2, p0  }
0x20: {  	[sflag:s8] =	ssyncset.s32 @!p0 $0xFFFFF086;
	s6 =	sadd.s32 @!p0 s3, s7;
	s7 =	simm.s32 @!p0 $0x108  }
0x21: {  	s3 =	sadd.s32 s3, s9;
	s6 =	sadd.s32 @!p0 $0x88, s6;
	s7 =	simm.s32 @p2 $0x1082  }
0x22: {  	[simem:s7], [sflag:s8] =	dma.local @!p0 [hbm:s6], $0xF7A  }
0x23: {  	s9 =	sor.u32 $0xD0000000, s2;
	s6 =	simm.s32 $0x108;
	_ =	swait.ge @!p0 [sflag:s8], $0x0  }
0x24: {  	s3 =	sadd.s32 $0x88, s3;
	s6 =	simm.s32 @!p1 $0x1082;
	[sflag:s4] =	ssyncset.s32 $0xFFFFF086  }
0x25: {  	[simem:s6], [sflag:s4] =	dma.local [hbm:s3], $0xF7A  }
0x26: {  	[smem:$0x3F93] =	sst s1;
	(tag) =	ssettag s2;
	_ =	strace s9  }
0x27: {  	s1 =	sld [smem:$0x3FA3]  }
0x28: {  	s2 =	sld [smem:$0x3FA4]  }
0x29: {  	s4 =	sld [smem:$0x3FA6]  }
0x2a: {  	p0 =	seq.s32 s5, $0x0;
	s5 =	sld [smem:$0x3FA7]  }
0x2b: {  	s6 =	sld [smem:$0x3FA8]  }
0x2c: {  	s7 =	sld [smem:$0x3FA9]  }
0x2d: {  	s3 =	simm.s32 $0x108;
	s8 =	sld [smem:$0x3FAA]  }
0x2e: {  	s3 =	simm.s32 @!p0 $0x1082;
	s9 =	sld [smem:$0x3FAB]  }
0x2f: {  	lr =	sadd.s32 s0, s3;
	s0 =	sld [smem:$0x3FA2]  }
0x30: {  	s3 =	sld [smem:$0x3FA5]  }
0x31: {  	[smem:$0x3FAE] =	sst s10  }
0x32: {  	s10 =	sld [smem:$0x3FAC];
	_ =	sdelay $0x3  }
0x33: {  	p0 =	seq.s32 s10, $0x1;
	s10 =	sld [smem:$0x3FAE];
	_ =	sdelay $0x3  }
0x34: {  	[smem:$0x3FAE] =	sst s10  }
0x35: {  	s10 =	sld [smem:$0x3FAD];
	_ =	sdelay $0x3  }
0x36: {  	p1 =	seq.s32 s10, $0x1;
	s10 =	sld [smem:$0x3FAE];
	_ =	sdelay $0x3  }
0x37: {  	[smem:$0x3FAE] =	sst s10  }
0x38: {  	s10 =	sld [smem:$0x3FAF]  }
0x39: {  	_ = 	snop;
	(pc) =	sbr.ind lr, $3  }
0x3a: {  	_ = 	snop  }
0x3b: {  	_ = 	snop  }
0x3c: {  	p2 =	seq.s32 s10, $0x1;
	s10 =	sld [smem:$0x3FAE]  }
0x3d: {  	_ =	shalt  }
0x3e: {  	_ =	shalt  }
0x3f: {  	_ =	shalt  }
0x40: {  	_ =	shalt  }
0x41: {  	_ =	shalt  }
0x42: {  	_ =	shalt  }
0x43: {  	_ =	shalt  }
0x44: {  	_ =	shalt  }
0x45: {  	_ =	shalt  }
0x46: {  	_ =	shalt  }
0x47: {  	_ =	shalt  }
0x48: {  	_ =	shalt  }
0x49: {  	_ =	shalt  }
0x4a: {  	_ =	shalt  }
0x4b: {  	_ =	shalt  }
0x4c: {  	_ =	shalt  }
0x4d: {  	_ =	shalt  }
0x4e: {  	_ =	shalt  }
0x4f: {  	_ =	shalt  }
0x50: {  	_ =	shalt  }
0x51: {  	_ =	shalt  }
0x52: {  	_ =	shalt  }
0x53: {  	_ =	shalt  }
0x54: {  	_ =	shalt  }
0x55: {  	_ =	shalt  }
0x56: {  	_ =	shalt  }
0x57: {  	_ =	shalt  }
0x58: {  	_ =	shalt  }
0x59: {  	_ =	shalt  }
0x5a: {  	_ =	shalt  }
0x5b: {  	_ =	shalt  }
0x5c: {  	_ =	shalt  }
0x5d: {  	_ =	shalt  }
0x5e: {  	_ =	shalt  }
0x5f: {  	_ =	shalt  }
0x60: {  	_ =	shalt  }
0x61: {  	_ =	shalt  }
0x62: {  	_ =	shalt  }
0x63: {  	_ =	shalt  }
0x64: {  	_ =	shalt  }
0x65: {  	_ =	shalt  }
0x66: {  	_ =	shalt  }
0x67: {  	_ =	shalt  }
0x68: {  	_ =	shalt  }
0x69: {  	_ =	shalt  }
0x6a: {  	_ =	shalt  }
0x6b: {  	_ =	shalt  }
0x6c: {  	_ =	shalt  }
0x6d: {  	_ =	shalt  }
0x6e: {  	_ =	shalt  }
0x6f: {  	_ =	shalt  }
0x70: {  	_ =	shalt  }
0x71: {  	_ =	shalt  }
0x72: {  	_ =	shalt  }
0x73: {  	_ =	shalt  }
0x74: {  	_ =	shalt  }
0x75: {  	_ =	shalt  }
0x76: {  	_ =	shalt  }
0x77: {  	_ =	shalt  }
0x78: {  	_ =	shalt  }
0x79: {  	_ =	shalt  }
0x7a: {  	_ =	shalt  }
0x7b: {  	_ =	shalt  }
0x7c: {  	_ =	shalt  }
0x7d: {  	_ =	shalt  }
0x7e: {  	_ =	shalt  }
0x7f: {  	_ =	shalt  }
0x80: {  	_ =	shalt  }
0x81: {  	_ =	shalt  }
0x82: {  	_ =	shalt  }
0x83: {  	_ =	shalt  }
0x84: {  	_ =	shalt  }
0x85: {  	_ =	shalt  }
0x86: {  	_ =	shalt  }
0x87: {  	_ =	shalt  }
.Lfunc_end0:
.L_simem_size_0:
called_computation.2_lowered:
.L_overlay_start_0:
0x88: {  	s2 =	sld [smem:$0x3FD9]  }
0x89: {  	s3 =	sld [smem:$0x3FFE];
	_ =	sdelay $0x1  }
0x8a: {  	s1 =	srdreg.scid  }
0x8b: {  	s0 =	sand.u32 $0x1, s1  }
0x8c: {  	s17 =	sshll.u32 s0, $0xA;
	s2 =	sadd.s32 s3, s2  }
0x8d: {  	s2 =	sadd.s32 s2, s17  }
0x8e: {  	[smem:$0x3FBA] =	sst s2  }
0x8f: {  	_ = 	snop  }
0x90: {  	s2 =	sld [smem:$0x3FD0];
	(tm) =	ssettm $0x1  }
0x91: {  	s18 =	sld [smem:$0x3FFB];
	_ =	sdelay $0x3  }
0x92: {  	_ =	strace s18  }
0x93: {  	s3 =	sld [smem:$0x3FFC];
	_ =	sdelay $0x3  }
0x94: {  	_ =	strace s3  }
0x95: {  	s3 =	sld [smem:$0x3FFD];
	_ =	sdelay $0x3  }
0x96: {  	_ =	strace s3  }
0x97: {  	_ =	strace $0x8FFFFFFF  }
0x98: {  	s19 =	sld [smem:$0x3FDB];
	_ =	sdelay $0x1  }
0x99: {  	s4 =	simm.s32 $_scs_section_size  }
0x9a: {  	s5 =	simm.s32 $_size__tile_overlayer_lowered;
	s6 =	simm.s32 $_tile_overlayer_lowered  }
0x9b: {  	s22 =	simm.s32 $0x1BFF;
	s21 =	sshll.u32 s6, $0x1;
	s3 =	sadd.s32 s4, s19  }
0x9c: {  	s7 =	simm.s32 $0x0;
	s20 =	sshll.u32 s5, $0x1;
	s5 =	sadd.s32 s21, s3  }
0x9d: {  	[timem:s7], [sflag:s22] =	dma.local [hbm:s5], s20  }
0x9e: {  	_ =	swait.ge [sflag:s22], s20  }
0x9f: {  	s4 =	ssub.s32 $0x0, s20;
	[sflag:s22] =	ssyncset.done $0x0  }
0xa0: {  	[sflag:s22] =	ssyncadd.s32 s4;
	_ =	sdelay $0x1  }
0xa1: {  	s23 =	simm.s32 $0x1B8B  }
0xa2: {  	_ =	swait.ge [sflag:s23], $0x1  }
0xa3: {  	[sflag:s23] =	ssyncset.done $0x0  }
0xa4: {  	s25 =	simm.s32 $0x1B8E;
	s24 =	sld [smem:$0x3FFE];
	[sflag:s23] =	ssyncadd.s32 $0xFFFFFFFF  }
0xa5: {  	s26 =	simm.s32 $execute0_lowered;
	[smem:$0x3FD2] =	sst s25  }
0xa6: {  	s5 =	sshll.u32 s26, $0x1;
	_ =	strace $0x8000004C;
	[dreg:$0x1] =	wrdreg $0xFFFFFFFF  }
0xa7: {  	s28 =	simm.s32 $_size_execute0_lowered;
	s3 =	sadd.s32 s3, s5;
	[dreg:$0x0] =	wrdreg $0x0  }
0xa8: {  	s5 =	sshll.u32 s28, $0x1;
	[dreg:$0x2] =	wrdreg s3  }
0xa9: {  	[dreg:$0x3] =	wrdreg s5  }
0xaa: {  	[dreg:$0x4] =	wrdreg $0xC0  }
0xab: {  	_ =	task [dreg:s7], $0x5FFFF  }
0xac: {  	[dreg:$0x1] =	wrdreg $0xFFFFFFFF  }
0xad: {  	[dreg:$0x0] =	wrdreg $0x60  }
0xae: {  	[dreg:$0x2] =	wrdreg s24  }
0xaf: {  	[dreg:$0x3] =	wrdreg s2  }
0xb0: {  	[dreg:$0x4] =	wrdreg $0xA2000  }
0xb1: {  	[dreg:$0x5] =	wrdreg $0x9  }
0xb2: {  	_ =	task.clear_ibuf [dreg:s7], $0x6FFFF;
	_ =	strace $0x9000004C  }
0xb3: {  	s29 =	simm.s32 $0x9;
	_ =	strace $0x8000004E  }
0xb4: {  	_ =	swait.ge [sflag:s29], $0x1  }
0xb5: {  	[sflag:s29] =	ssyncadd.s32 $0xFFFFFFFF  }
0xb6: {  	_ =	strace $0x9000004E  }
0xb7: {  	_ =	sfence  }
0xb8: {  	s30 =	sld [smem:$0x0];
	_ =	sdelay $0x2  }
0xb9: {  	s31 =	sshll.u32 s1, $0xD;
	s1 =	sshrl.u32 s1, $0x2  }
0xba: {  	s3 =	sand.u32 $0x4000, s31;
	s1 =	sadd.s32 s1, s30  }
0xbb: {  	s0 =	sor.u32 s3, s0;
	s1 =	sshll.u32 s1, $0x11  }
0xbc: {  	s0 =	sor.u32 s1, s0  }
0xbd: {  	s0 =	sadd.s32 $0x8F2B, s0  }
0xbe: {  	[sflag:s0] =	ssyncadd.remote.s32 $0x1  }
0xbf: {  	_ =	sfence.sel $0xFFFF  }
0xc0: {  	[dreg:$0x0] =	wrdreg $0xFFFFFFFF;
	(pc) =	sbr.abs _section_cstart, $3  }
0xc1: {  	[dreg:$0x1] =	wrdreg $0xFFFFFFFF  }
0xc2: {  	_ =	task.clear_ibuf [dreg:s7], $0x2FFFF;
	_ =	strace $0x9FFFFFFF  }
0xc3: {  	(tm) =	ssettm $0x7FFFFFFF  }
tec
execute0_lowered:
.L_overlay_start_1:
0x0: {  	(tag) =	ssettag $0x1  }
0x1: {  	s0 =	rddreg [dreg:$0x0]  }
0x2: {  	s1 =	rddreg [dreg:$0x1]  }
0x3: {  	s2 =	rddreg [dreg:$0x2];
	s4 =	srdreg.scid;
	s3 =	simm.s32 $0x0  }
0x4: {  	s10 =	stileid.u32;
	s28 =	simm.s32 $0x7;
	s29 =	simm.s32 $0x100  }
0x5: {  	s30 =	simm.s32 $0x80;
	s31 =	simm.s32 $0x180;
	s11 =	simm.s32 $0x4  }
0x6: {  	s12 =	simm.s32 $0x0;
	s5 =	sand.u32 $0x1, s4;
	s6 =	smul.u32 $0x2800, s10  }
0x7: {  	[smem:$0x7FF] =	sst s3;
	s9 =	sadd.s32 $0x2C00, s0;
	s14 =	smul.u32 $0x50000, s10  }
0x8: {  	s15 =	sadd.s32 $0x34C00, s0;
	s4 =	sshll.u32 s5, $0x4;
	_ =	strace $0x8000004D  }
0x9: {  	s7 =	smul.u32 $0x28000, s5;
	s5 =	ssub.s32 $0x2, s5;
	[dreg:$0x4] =	wrdreg s15  }
0xa: {  	s8 =	sor.u32 s10, s4;
	s4 =	sadd.s32 $0xCC00, s0;
	s16 =	sshrl.u32 s5, $0x1  }
0xb: {  	s10 =	simm.s32 $0x6;
	s8 =	smul.u32 $0x2800, s8;
	s7 =	sadd.s32 s6, s7  }
0xc: {  	s5 =	ssub.s32 s5, s16;
	s6 =	sshrl.u32 s14, $0x2;
	s0 =	sadd.s32 s7, s0  }
0xd: {  	s6 =	sadd.s32 s6, s2;
	s21 =	smax.u32 s5, $0x1;
	s25 =	sor.u32 $0x180, s7  }
0xe: {  	s26 =	sor.u32 $0x100, s7;
	s7 =	simm.s32 $0x4200;
	s8 =	sshrl.u32 s8, $0x3  }
0xf: {  	s0 =	sadd.s32 $0x35000, s0;
	[dreg:$0xa] =	wrdreg s21;
	s22 =	sadd.s32 $0x2000, s6  }
0x10: {  	s23 =	sadd.s32 $0x4000, s6;
	s24 =	sadd.s32 $0x6000, s6;
	[dreg:$0x9] =	wrdreg s0  }
0x11: {  	s16 =	sadd.s32 $0x8000, s6;
	s5 =	sshrl.u32 s26, $0x3;
	[dreg:$0xb] =	wrdreg s22  }
0x12: {  	s26 =	simm.s32 $0x8200;
	s17 =	sadd.s32 s1, s8;
	[dreg:$0xc] =	wrdreg s23  }
0x13: {  	s18 =	sor.u32 $0x10, s8;
	s8 =	sadd.s32 s9, s8;
	[dreg:$0xd] =	wrdreg s24  }
0x14: {  	s0 =	sshrl.u32 s25, $0x3;
	s23 =	sadd.s32 s5, s9;
	s24 =	sadd.s32 s5, s1  }
0x15: {  	s25 =	sadd.s32 $0x12000, s6;
	s5 =	simm.s32 $0x2;
	[dreg:$0x5] =	wrdreg s17  }
0x16: {  	[dreg:$0x6] =	wrdreg s8;
	s19 =	sadd.s32 s1, s18;
	s20 =	sadd.s32 s9, s18  }
0x17: {  	s17 =	sadd.s32 $0xA000, s6;
	s18 =	sadd.s32 $0xC000, s6;
	s21 =	sadd.s32 s0, s9  }
0x18: {  	s22 =	sadd.s32 s0, s1;
	s0 =	simm.s32 $0x1;
	s1 =	simm.s32 $0x200  }
0x19: {  	s8 =	simm.s32 $0x5;
	s9 =	simm.s32 $0x3;
	[dreg:$0x7] =	wrdreg s19  }
0x1a: {  	[dreg:$0x8] =	wrdreg s20;
	s19 =	sadd.s32 $0xE000, s6;
	s20 =	sadd.s32 $0x10000, s6  }
.LBB2_1:
0x1b: {  	s13 =	rddreg [dreg:$0x4]  }
0x1c: {  	[tilespmem:s26], [sflag:$0x7] =	stream.linear.gather [hbm4b:s13+s3], $0x2000, $0x38;
	[tilespmem:$0x1E200] =	vst v63  }
0x1d: {  	_ =	swait.ge [sflag:s28], $0x2000  }
0x1e: {  	[sflag:s28] =	ssyncset.done $0x0  }
0x1f: {  	[sflag:s28] =	ssyncadd.s32 $0xFFFFE000  }
0x20: {  	[spmem:s6] =	stream.linear.scatter [tilespmem:s26], [sflag:$0x7], $0x2000, $0x38;
	[tilespmem:$0x1E200] =	vst v63  }
0x21: {  	_ =	swait.ge [sflag:s28], $0x2000  }
0x22: {  	[sflag:s28] =	ssyncset.done $0x0  }
0x23: {  	s14 =	rddreg [dreg:$0xb];
	[sflag:s28] =	ssyncadd.s32 $0xFFFFE000  }
0x24: {  	[spmem:s14] =	stream.linear.scatter [tilespmem:s26], [sflag:$0x7], $0x2000, $0x38;
	[tilespmem:$0x1E200] =	vst v63  }
0x25: {  	_ =	swait.ge [sflag:s28], $0x2000  }
0x26: {  	[sflag:s28] =	ssyncset.done $0x0  }
0x27: {  	s15 =	rddreg [dreg:$0xc];
	[sflag:s28] =	ssyncadd.s32 $0xFFFFE000  }
0x28: {  	[spmem:s15] =	stream.linear.scatter [tilespmem:s26], [sflag:$0x7], $0x2000, $0x38;
	[tilespmem:$0x1E200] =	vst v63  }
0x29: {  	_ =	swait.ge [sflag:s28], $0x2000  }
0x2a: {  	[sflag:s28] =	ssyncset.done $0x0  }
0x2b: {  	s14 =	rddreg [dreg:$0xd];
	[sflag:s28] =	ssyncadd.s32 $0xFFFFE000  }
0x2c: {  	[spmem:s14] =	stream.linear.scatter [tilespmem:s26], [sflag:$0x7], $0x2000, $0x38;
	[tilespmem:$0x1E200] =	vst v63  }
0x2d: {  	_ =	swait.ge [sflag:s28], $0x2000  }
0x2e: {  	[sflag:s28] =	ssyncset.done $0x0  }
0x2f: {  	[sflag:s28] =	ssyncadd.s32 $0xFFFFE000  }
0x30: {  	[spmem:s16] =	stream.linear.scatter [tilespmem:s26], [sflag:$0x7], $0x2000, $0x38;
	[tilespmem:$0x1E200] =	vst v63  }
0x31: {  	_ =	swait.ge [sflag:s28], $0x2000  }
0x32: {  	[sflag:s28] =	ssyncset.done $0x0  }
0x33: {  	[sflag:s28] =	ssyncadd.s32 $0xFFFFE000  }
0x34: {  	[spmem:s17] =	stream.linear.scatter [tilespmem:s26], [sflag:$0x7], $0x2000, $0x38;
	[tilespmem:$0x1E200] =	vst v63  }
0x35: {  	_ =	swait.ge [sflag:s28], $0x2000  }
0x36: {  	[sflag:s28] =	ssyncset.done $0x0  }
0x37: {  	[sflag:s28] =	ssyncadd.s32 $0xFFFFE000  }
0x38: {  	[spmem:s18] =	stream.linear.scatter [tilespmem:s26], [sflag:$0x7], $0x2000, $0x38;
	[tilespmem:$0x1E200] =	vst v63  }
0x39: {  	_ =	swait.ge [sflag:s28], $0x2000  }
0x3a: {  	[sflag:s28] =	ssyncset.done $0x0  }
0x3b: {  	[sflag:s28] =	ssyncadd.s32 $0xFFFFE000  }
0x3c: {  	[spmem:s19] =	stream.linear.scatter [tilespmem:s26], [sflag:$0x7], $0x2000, $0x38;
	[tilespmem:$0x1E200] =	vst v63  }
0x3d: {  	_ =	swait.ge [sflag:s28], $0x2000  }
0x3e: {  	[sflag:s28] =	ssyncset.done $0x0  }
0x3f: {  	[sflag:s28] =	ssyncadd.s32 $0xFFFFE000  }
0x40: {  	[spmem:s20] =	stream.linear.scatter [tilespmem:s26], [sflag:$0x7], $0x2000, $0x38;
	[tilespmem:$0x1E200] =	vst v63  }
0x41: {  	_ =	swait.ge [sflag:s28], $0x2000  }
0x42: {  	[sflag:s28] =	ssyncset.done $0x0  }
0x43: {  	[sflag:s28] =	ssyncadd.s32 $0xFFFFE000  }
0x44: {  	[spmem:s25] =	stream.linear.scatter [tilespmem:s26], [sflag:$0x7], $0x2000, $0x38;
	[tilespmem:$0x1E200] =	vst v63  }
0x45: {  	_ =	swait.ge [sflag:s28], $0x2000  }
0x46: {  	[sflag:s28] =	ssyncset.done $0x0  }
0x47: {  	[sflag:s28] =	ssyncadd.s32 $0xFFFFE000  }
0x48: {  	[bflag:$0x0] =	sbarrier.arrive $0xFFFF  }
0x49: {  	s15 =	rddreg [dreg:$0x5]  }
0x4a: {  	[tilespmem:s3], [sflag:$0x1] =	stream.linear.gather [hbm4b:s15+s3], $0x80, $0x38;
	[tilespmem:$0x1E200] =	vst v63  }
0x4b: {  	s14 =	rddreg [dreg:$0x6]  }
0x4c: {  	[tilespmem:s29], [sflag:$0x3] =	stream.linear.gather [hbm4b:s14+s3], $0x80, $0x38;
	[tilespmem:$0x1E200] =	vst v63  }
0x4d: {  	s15 =	rddreg [dreg:$0x7]  }
0x4e: {  	[tilespmem:s30], [sflag:$0x2] =	stream.linear.gather [hbm4b:s15+s3], $0x80, $0x38;
	[tilespmem:$0x1E200] =	vst v63  }
0x4f: {  	s14 =	rddreg [dreg:$0x8]  }
0x50: {  	[tilespmem:s31], [sflag:$0x4] =	stream.linear.gather [hbm4b:s14+s3], $0x80, $0x38;
	[tilespmem:$0x1E200] =	vst v63  }
0x51: {  	_ =	swait.ge [sflag:s0], $0x80  }
0x52: {  	[sflag:s0] =	ssyncset.done $0x0  }
0x53: {  	[sflag:s0] =	ssyncadd.s32 $0xFFFFFF80  }
0x54: {  	[tilespmem:s1], [sflag:$0x5] =	stream.indirect.gather [hbm4b:s4+s30], $0x80, s3, s30, $0xb8;
	[tilespmem:$0x1E200] =	vst v63  }
0x55: {  	_ =	swait.ge [sflag:s5], $0x80  }
0x56: {  	[sflag:s5] =	ssyncset.done $0x0  }
0x57: {  	[sflag:s5] =	ssyncadd.s32 $0xFFFFFF80  }
0x58: {  	[tilespmem:s7], [sflag:$0x6] =	stream.indirect.gather [hbm4b:s4+s30], $0x80, s30, s30, $0xb8;
	[tilespmem:$0x1E200] =	vst v63  }
0x59: {  	_ =	swait.ge [sflag:s8], $0x4000  }
0x5a: {  	[sflag:s8] =	ssyncset.done $0x0  }
0x5b: {  	[sflag:s8] =	ssyncadd.s32 $0xFFFFC000  }
0x5c: {  	_ =	swait.ge [sflag:s9], $0x80  }
0x5d: {  	[sflag:s9] =	ssyncset.done $0x0  }
0x5e: {  	[sflag:s9] =	ssyncadd.s32 $0xFFFFFF80  }
0x5f: {  	[spmem:s2] =	stream.indirect.scatter.add.f32 [tilespmem:s1], [sflag:$0x7], $0x80, s29, s30, $0xb8;
	[tilespmem:$0x1E200] =	vst v63  }
0x60: {  	_ =	swait.ge [sflag:s28], $0x4000  }
0x61: {  	[sflag:s28] =	ssyncset.done $0x0  }
0x62: {  	s15 =	sadd.s32 $0x0, s24;
	[sflag:s28] =	ssyncadd.s32 $0xFFFFC000  }
0x63: {  	[tilespmem:s3], [sflag:$0x1] =	stream.linear.gather [hbm4b:s15+s3], $0x80, $0x38;
	[tilespmem:$0x1E200] =	vst v63  }
0x64: {  	s14 =	sadd.s32 $0x0, s23  }
0x65: {  	[tilespmem:s29], [sflag:$0x3] =	stream.linear.gather [hbm4b:s14+s3], $0x80, $0x38;
	[tilespmem:$0x1E200] =	vst v63  }
0x66: {  	_ =	swait.ge [sflag:s10], $0x4000  }
0x67: {  	[sflag:s10] =	ssyncset.done $0x0  }
0x68: {  	[sflag:s10] =	ssyncadd.s32 $0xFFFFC000  }
0x69: {  	_ =	swait.ge [sflag:s11], $0x80  }
0x6a: {  	[sflag:s11] =	ssyncset.done $0x0  }
0x6b: {  	[sflag:s11] =	ssyncadd.s32 $0xFFFFFF80  }
0x6c: {  	[spmem:s2] =	stream.indirect.scatter.add.f32 [tilespmem:s7], [sflag:$0x7], $0x80, s31, s30, $0xb8;
	[tilespmem:$0x1E200] =	vst v63  }
0x6d: {  	_ =	swait.ge [sflag:s28], $0x4000  }
0x6e: {  	s13 =	simm.s32 $0x20;
	[sflag:s28] =	ssyncset.done $0x0  }
0x6f: {  	s15 =	sadd.s32 $0x0, s22;
	s14 =	sadd.s32 $0x0, s21;
	[sflag:s28] =	ssyncadd.s32 $0xFFFFC000  }
0x70: {  	[tilespmem:s30], [sflag:$0x2] =	stream.linear.gather [hbm4b:s15+s3], $0x80, $0x38;
	[tilespmem:$0x1E200] =	vst v63  }
.LBB2_2:
0x71: {  	[tilespmem:s31], [sflag:$0x4] =	stream.linear.gather [hbm4b:s14+s3], $0x80, $0x38;
	[tilespmem:$0x1E200] =	vst v63  }
0x72: {  	s14 =	smov.u32 s13  }
0x73: {  	p0 =	sne.s32 s13, $0x4C0;
	s13 =	sadd.s32 $0x20, s13;
	_ =	swait.ge [sflag:s0], $0x80  }
0x74: {  	[sflag:s0] =	ssyncset.done $0x0  }
0x75: {  	[sflag:s0] =	ssyncadd.s32 $0xFFFFFF80  }
0x76: {  	[tilespmem:s1], [sflag:$0x5] =	stream.indirect.gather [hbm4b:s4+s30], $0x80, s3, s30, $0xb8;
	[tilespmem:$0x1E200] =	vst v63  }
0x77: {  	_ =	swait.ge [sflag:s5], $0x80  }
0x78: {  	[sflag:s5] =	ssyncset.done $0x0  }
0x79: {  	[sflag:s5] =	ssyncadd.s32 $0xFFFFFF80  }
0x7a: {  	[tilespmem:s7], [sflag:$0x6] =	stream.indirect.gather [hbm4b:s4+s30], $0x80, s30, s30, $0xb8;
	[tilespmem:$0x1E200] =	vst v63  }
0x7b: {  	_ =	swait.ge [sflag:s8], $0x4000  }
0x7c: {  	[sflag:s8] =	ssyncset.done $0x0  }
0x7d: {  	[sflag:s8] =	ssyncadd.s32 $0xFFFFC000  }
0x7e: {  	_ =	swait.ge [sflag:s9], $0x80  }
0x7f: {  	[sflag:s9] =	ssyncset.done $0x0  }
0x80: {  	[sflag:s9] =	ssyncadd.s32 $0xFFFFFF80  }
0x81: {  	[spmem:s2] =	stream.indirect.scatter.add.f32 [tilespmem:s1], [sflag:$0x7], $0x80, s29, s30, $0xb8;
	[tilespmem:$0x1E200] =	vst v63  }
0x82: {  	_ =	swait.ge [sflag:s28], $0x4000  }
0x83: {  	[sflag:s28] =	ssyncset.done $0x0  }
0x84: {  	s15 =	sadd.s32 s14, s24;
	[sflag:s28] =	ssyncadd.s32 $0xFFFFC000  }
0x85: {  	[tilespmem:s3], [sflag:$0x1] =	stream.linear.gather [hbm4b:s15+s3], $0x80, $0x38;
	[tilespmem:$0x1E200] =	vst v63  }
0x86: {  	s15 =	sadd.s32 s14, s23  }
0x87: {  	[tilespmem:s29], [sflag:$0x3] =	stream.linear.gather [hbm4b:s15+s3], $0x80, $0x38;
	[tilespmem:$0x1E200] =	vst v63  }
0x88: {  	_ =	swait.ge [sflag:s10], $0x4000  }
0x89: {  	[sflag:s10] =	ssyncset.done $0x0  }
0x8a: {  	[sflag:s10] =	ssyncadd.s32 $0xFFFFC000  }
0x8b: {  	_ =	swait.ge [sflag:s11], $0x80  }
0x8c: {  	[sflag:s11] =	ssyncset.done $0x0  }
0x8d: {  	[sflag:s11] =	ssyncadd.s32 $0xFFFFFF80  }
0x8e: {  	[spmem:s2] =	stream.indirect.scatter.add.f32 [tilespmem:s7], [sflag:$0x7], $0x80, s31, s30, $0xb8;
	[tilespmem:$0x1E200] =	vst v63  }
.Ltmp0:
0x8f: {  	_ =	swait.ge [sflag:s28], $0x4000;
	(pc) =	sbr.rel @p0 .LBB2_2-.Ltmp0, $4  }
0x90: {  	[sflag:s28] =	ssyncset.done $0x0  }
0x91: {  	s15 =	sadd.s32 s14, s22;
	[sflag:s28] =	ssyncadd.s32 $0xFFFFC000  }
0x92: {  	[tilespmem:s30], [sflag:$0x2] =	stream.linear.gather [hbm4b:s15+s3], $0x80, $0x38;
	[tilespmem:$0x1E200] =	vst v63  }
0x93: {  	s14 =	sadd.s32 s14, s21  }
0x94: {  	[tilespmem:s31], [sflag:$0x4] =	stream.linear.gather [hbm4b:s14+s3], $0x80, $0x38;
	[tilespmem:$0x1E200] =	vst v63  }
0x95: {  	_ =	swait.ge [sflag:s0], $0x80  }
0x96: {  	[sflag:s0] =	ssyncset.done $0x0  }
0x97: {  	[sflag:s0] =	ssyncadd.s32 $0xFFFFFF80  }
0x98: {  	[tilespmem:s1], [sflag:$0x5] =	stream.indirect.gather [hbm4b:s4+s30], $0x80, s3, s30, $0xb8;
	[tilespmem:$0x1E200] =	vst v63  }
0x99: {  	_ =	swait.ge [sflag:s5], $0x80  }
0x9a: {  	[sflag:s5] =	ssyncset.done $0x0  }
0x9b: {  	[sflag:s5] =	ssyncadd.s32 $0xFFFFFF80  }
0x9c: {  	[tilespmem:s7], [sflag:$0x6] =	stream.indirect.gather [hbm4b:s4+s30], $0x80, s30, s30, $0xb8;
	[tilespmem:$0x1E200] =	vst v63  }
0x9d: {  	_ =	swait.ge [sflag:s8], $0x4000  }
0x9e: {  	[sflag:s8] =	ssyncset.done $0x0  }
0x9f: {  	[sflag:s8] =	ssyncadd.s32 $0xFFFFC000  }
0xa0: {  	_ =	swait.ge [sflag:s9], $0x80  }
0xa1: {  	[sflag:s9] =	ssyncset.done $0x0  }
0xa2: {  	[sflag:s9] =	ssyncadd.s32 $0xFFFFFF80  }
0xa3: {  	[spmem:s2] =	stream.indirect.scatter.add.f32 [tilespmem:s1], [sflag:$0x7], $0x80, s29, s30, $0xb8;
	[tilespmem:$0x1E200] =	vst v63  }
0xa4: {  	_ =	swait.ge [sflag:s28], $0x4000  }
0xa5: {  	[sflag:s28] =	ssyncset.done $0x0  }
0xa6: {  	[sflag:s28] =	ssyncadd.s32 $0xFFFFC000  }
0xa7: {  	_ =	swait.ge [sflag:s10], $0x4000  }
0xa8: {  	[sflag:s10] =	ssyncset.done $0x0  }
0xa9: {  	[sflag:s10] =	ssyncadd.s32 $0xFFFFC000  }
0xaa: {  	_ =	swait.ge [sflag:s11], $0x80  }
0xab: {  	[sflag:s11] =	ssyncset.done $0x0  }
0xac: {  	[sflag:s11] =	ssyncadd.s32 $0xFFFFFF80  }
0xad: {  	[spmem:s2] =	stream.indirect.scatter.add.f32 [tilespmem:s7], [sflag:$0x7], $0x80, s31, s30, $0xb8;
	[tilespmem:$0x1E200] =	vst v63  }
0xae: {  	_ =	swait.ge [sflag:s28], $0x4000  }
0xaf: {  	[sflag:s28] =	ssyncset.done $0x0  }
0xb0: {  	s13 =	stileid.u32;
	[sflag:s28] =	ssyncadd.s32 $0xFFFFC000  }
0xb1: {  	s13 =	sshll.u32 s13, $0x6;
	[bflag:$0x0] =	sbarrier.arrive $0xFFFF  }
0xb2: {  	s14 =	sshrl.u32 s6, $0x3;
	s13 =	sor.u32 $0x1C07, s13;
	s15 =	rddreg [dreg:$0x9]  }
0xb3: {  	[hbm:s15], [sflag:s13] =	dma.local [spmem:s14], $0x2800  }
0xb4: {  	_ =	swait.ge [sflag:s28], $0x2800  }
0xb5: {  	s12 =	sadd.s32 $0x1, s12;
	s15 =	rddreg [dreg:$0xa]  }
0xb6: {  	p0 =	sne.s32 s12, s15  }
.Ltmp1:
0xb7: {  	_ = 	snop;
	(pc) =	sbr.rel @p0 .LBB2_1-.Ltmp1, $3  }
0xb8: {  	_ =	sdelay $0x1  }
0xb9: {  	[sflag:s28] =	ssyncset.done $0x0  }
0xba: {  	[sflag:s28] =	ssyncadd.s32 $0xFFFFD800  }
0xbb: {  	_ =	sfence.sel $0x180000  }
0xbc: {  	[bflag:$0x0] =	sbarrier.arrive $0xFFFF  }
0xbd: {  	_ =	strace $0x9000004D  }
0xbe: {  	s0 =	stileid.u32;
	[bflag:$0x2] =	sbarrier.arrive $0xFFFF  }
0xbf: {  	p0 =	sne.s32 s0, $0x0;
	s0 =	rddreg [dreg:$0x3]  }
0xc0: {  	s0 =	sadd.s32 @!p0 $0x100000, s0  }
0xc1: {  	[sflag:s0] =	ssyncadd.tile.s32 @!p0 $0x1;
	_ =	shalt  }
.Lfunc_end2:
_tile_overlayer_lowered:
.L_overlay_start_2:
0xc2: {  	(tag) =	ssettag $0x2  }
0xc3: {  	s0 =	rddreg [dreg:$0x0];
	s2 =	stileid.u32  }
0xc4: {  	s1 =	rddreg [dreg:$0x1];
	p0 =	sne.s32 s2, $0x0  }
0xc5: {  	s3 =	rddreg [dreg:$0x2];
	[bflag:$0x3] =	sbarrier.arrive $0xFFFF;
	s2 =	simm.s32 @!p0 $0x1C07  }
0xc6: {  	[timem:s3], [sflag:s2] =	dma.local @!p0 [hbm:s0], s1  }
0xc7: {  	s0 =	simm.s32 @!p0 $0x7  }
0xc8: {  	_ =	swait.ge @!p0 [sflag:s0], s1  }
0xc9: {  	s1 =	ssub.s32 @!p0 $0x0, s1;
	[sflag:s0] =	ssyncset.done @!p0 $0x0  }
0xca: {  	[sflag:s0] =	ssyncadd.s32 @!p0 s1  }
0xcb: {  	[bflag:$0x3] =	sbarrier.arrive $0xFFFF  }
0xcc: {  	_ =	shalt  }

// kernel: kernel.7.cloned.1.call-start
scs
__scs_entry_jumppad:
0x0: {  	(pc) =	sbr.rel $0x88, $3  }
0x1: {  	(tag) =	ssettag $0x0;
	lr =	simm.s32 $0x1  }
0x2: {  	[smem:$0x3F93] =	sst lr;
	_ =	strace $0xD0000000  }
0x3: {  	_ = 	snop  }
0x4: {  	_ = 	snop  }
0x5: {  	_ = 	snop  }
0x6: {  	_ = 	snop  }
0x7: {  	_ = 	snop  }
__scs_overlays_trampoline_lowered:
0x8: {  	[smem:$0x3FA2] =	sst s0  }
0x9: {  	[smem:$0x3FA3] =	sst s1  }
0xa: {  	[smem:$0x3FA4] =	sst s2  }
0xb: {  	[smem:$0x3FA5] =	sst s3  }
0xc: {  	[smem:$0x3FA6] =	sst s4  }
0xd: {  	[smem:$0x3FA7] =	sst s5  }
0xe: {  	[smem:$0x3FA8] =	sst s6  }
0xf: {  	[smem:$0x3FA9] =	sst s7  }
0x10: {  	[smem:$0x3FAA] =	sst s8  }
0x11: {  	[smem:$0x3FAB] =	sst s9;
	s0 =	simm.s32 @!p0 $0x0  }
0x12: {  	s1 =	sld [smem:$0x3F91];
	s0 =	simm.s32 @p0 $0x1  }
0x13: {  	[smem:$0x3FAC] =	sst s0;
	s0 =	simm.s32 @!p1 $0x0  }
0x14: {  	s2 =	sld [smem:$0x3F90];
	s0 =	simm.s32 @p1 $0x1  }
0x15: {  	[smem:$0x3FAD] =	sst s0;
	s0 =	simm.s32 @!p2 $0x0  }
0x16: {  	s3 =	sld [smem:$0x3FDB];
	s0 =	simm.s32 @p2 $0x1  }
0x17: {  	s4 =	simm.s32 $0x1BF5;
	[smem:$0x3FAF] =	sst s0  }
0x18: {  	s0 =	sld [smem:$0x3F92];
	_ =	swait.ge [sflag:s4], $0x0  }
0x19: {  	s7 =	sld [smem:$0x3F93]  }
0x1a: {  	s8 =	sadd.s32 $0xFFFFE003, lr  }
0x1b: {  	s9 =	sadd.s32 $0xFFFFFEF7, lr;
	s5 =	simm.s32 $0xFFFFFFFF;
	p2 =	slt.u32 s8, $0xFFFFF086  }
0x1c: {  	p1 =	slt.u32 s9, $0xF7A;
	s5 =	simm.s32 @!p2 $0x0  }
0x1d: {  	s5 =	simm.s32 @p1 $0x1;
	p0 =	seq.s32 s7, s2  }
0x1e: {  	s7 =	smul.u32 @!p0 $0xF7A, s2;
	p2 =	seq.s32 @!p0 s5, $0x0  }
0x1f: {  	s9 =	smul.u32 $0xF7A, s1;
	s8 =	simm.s32 @!p0 $0x1BF5;
	p2 =	por !p2, p0  }
0x20: {  	[sflag:s8] =	ssyncset.s32 @!p0 $0xFFFFF086;
	s6 =	sadd.s32 @!p0 s3, s7;
	s7 =	simm.s32 @!p0 $0x108  }
0x21: {  	s3 =	sadd.s32 s3, s9;
	s6 =	sadd.s32 @!p0 $0x88, s6;
	s7 =	simm.s32 @p2 $0x1082  }
0x22: {  	[simem:s7], [sflag:s8] =	dma.local @!p0 [hbm:s6], $0xF7A  }
0x23: {  	s9 =	sor.u32 $0xD0000000, s2;
	s6 =	simm.s32 $0x108;
	_ =	swait.ge @!p0 [sflag:s8], $0x0  }
0x24: {  	s3 =	sadd.s32 $0x88, s3;
	s6 =	simm.s32 @!p1 $0x1082;
	[sflag:s4] =	ssyncset.s32 $0xFFFFF086  }
0x25: {  	[simem:s6], [sflag:s4] =	dma.local [hbm:s3], $0xF7A  }
0x26: {  	[smem:$0x3F93] =	sst s1;
	(tag) =	ssettag s2;
	_ =	strace s9  }
0x27: {  	s1 =	sld [smem:$0x3FA3]  }
0x28: {  	s2 =	sld [smem:$0x3FA4]  }
0x29: {  	s4 =	sld [smem:$0x3FA6]  }
0x2a: {  	p0 =	seq.s32 s5, $0x0;
	s5 =	sld [smem:$0x3FA7]  }
0x2b: {  	s6 =	sld [smem:$0x3FA8]  }
0x2c: {  	s7 =	sld [smem:$0x3FA9]  }
0x2d: {  	s3 =	simm.s32 $0x108;
	s8 =	sld [smem:$0x3FAA]  }
0x2e: {  	s3 =	simm.s32 @!p0 $0x1082;
	s9 =	sld [smem:$0x3FAB]  }
0x2f: {  	lr =	sadd.s32 s0, s3;
	s0 =	sld [smem:$0x3FA2]  }
0x30: {  	s3 =	sld [smem:$0x3FA5]  }
0x31: {  	[smem:$0x3FAE] =	sst s10  }
0x32: {  	s10 =	sld [smem:$0x3FAC];
	_ =	sdelay $0x3  }
0x33: {  	p0 =	seq.s32 s10, $0x1;
	s10 =	sld [smem:$0x3FAE];
	_ =	sdelay $0x3  }
0x34: {  	[smem:$0x3FAE] =	sst s10  }
0x35: {  	s10 =	sld [smem:$0x3FAD];
	_ =	sdelay $0x3  }
0x36: {  	p1 =	seq.s32 s10, $0x1;
	s10 =	sld [smem:$0x3FAE];
	_ =	sdelay $0x3  }
0x37: {  	[smem:$0x3FAE] =	sst s10  }
0x38: {  	s10 =	sld [smem:$0x3FAF]  }
0x39: {  	_ = 	snop;
	(pc) =	sbr.ind lr, $3  }
0x3a: {  	_ = 	snop  }
0x3b: {  	_ = 	snop  }
0x3c: {  	p2 =	seq.s32 s10, $0x1;
	s10 =	sld [smem:$0x3FAE]  }
0x3d: {  	_ =	shalt  }
0x3e: {  	_ =	shalt  }
0x3f: {  	_ =	shalt  }
0x40: {  	_ =	shalt  }
0x41: {  	_ =	shalt  }
0x42: {  	_ =	shalt  }
0x43: {  	_ =	shalt  }
0x44: {  	_ =	shalt  }
0x45: {  	_ =	shalt  }
0x46: {  	_ =	shalt  }
0x47: {  	_ =	shalt  }
0x48: {  	_ =	shalt  }
0x49: {  	_ =	shalt  }
0x4a: {  	_ =	shalt  }
0x4b: {  	_ =	shalt  }
0x4c: {  	_ =	shalt  }
0x4d: {  	_ =	shalt  }
0x4e: {  	_ =	shalt  }
0x4f: {  	_ =	shalt  }
0x50: {  	_ =	shalt  }
0x51: {  	_ =	shalt  }
0x52: {  	_ =	shalt  }
0x53: {  	_ =	shalt  }
0x54: {  	_ =	shalt  }
0x55: {  	_ =	shalt  }
0x56: {  	_ =	shalt  }
0x57: {  	_ =	shalt  }
0x58: {  	_ =	shalt  }
0x59: {  	_ =	shalt  }
0x5a: {  	_ =	shalt  }
0x5b: {  	_ =	shalt  }
0x5c: {  	_ =	shalt  }
0x5d: {  	_ =	shalt  }
0x5e: {  	_ =	shalt  }
0x5f: {  	_ =	shalt  }
0x60: {  	_ =	shalt  }
0x61: {  	_ =	shalt  }
0x62: {  	_ =	shalt  }
0x63: {  	_ =	shalt  }
0x64: {  	_ =	shalt  }
0x65: {  	_ =	shalt  }
0x66: {  	_ =	shalt  }
0x67: {  	_ =	shalt  }
0x68: {  	_ =	shalt  }
0x69: {  	_ =	shalt  }
0x6a: {  	_ =	shalt  }
0x6b: {  	_ =	shalt  }
0x6c: {  	_ =	shalt  }
0x6d: {  	_ =	shalt  }
0x6e: {  	_ =	shalt  }
0x6f: {  	_ =	shalt  }
0x70: {  	_ =	shalt  }
0x71: {  	_ =	shalt  }
0x72: {  	_ =	shalt  }
0x73: {  	_ =	shalt  }
0x74: {  	_ =	shalt  }
0x75: {  	_ =	shalt  }
0x76: {  	_ =	shalt  }
0x77: {  	_ =	shalt  }
0x78: {  	_ =	shalt  }
0x79: {  	_ =	shalt  }
0x7a: {  	_ =	shalt  }
0x7b: {  	_ =	shalt  }
0x7c: {  	_ =	shalt  }
0x7d: {  	_ =	shalt  }
0x7e: {  	_ =	shalt  }
0x7f: {  	_ =	shalt  }
0x80: {  	_ =	shalt  }
0x81: {  	_ =	shalt  }
0x82: {  	_ =	shalt  }
0x83: {  	_ =	shalt  }
0x84: {  	_ =	shalt  }
0x85: {  	_ =	shalt  }
0x86: {  	_ =	shalt  }
0x87: {  	_ =	shalt  }
.Lfunc_end0:
.L_simem_size_0:
called_computation_lowered:
.L_overlay_start_0:
0x88: {  	s2 =	sld [smem:$0x3FD9]  }
0x89: {  	s3 =	sld [smem:$0x3FFE];
	_ =	sdelay $0x1  }
0x8a: {  	s1 =	srdreg.scid  }
0x8b: {  	s0 =	sand.u32 $0x1, s1  }
0x8c: {  	s17 =	sshll.u32 s0, $0xA;
	s2 =	sadd.s32 s3, s2  }
0x8d: {  	s2 =	sadd.s32 s2, s17  }
0x8e: {  	[smem:$0x3FBA] =	sst s2  }
0x8f: {  	_ = 	snop  }
0x90: {  	(tm) =	ssettm $0x1  }
0x91: {  	s18 =	sld [smem:$0x3FFB];
	_ =	sdelay $0x3  }
0x92: {  	_ =	strace s18  }
0x93: {  	s2 =	sld [smem:$0x3FFC];
	_ =	sdelay $0x3  }
0x94: {  	_ =	strace s2  }
0x95: {  	s2 =	sld [smem:$0x3FFD];
	_ =	sdelay $0x3  }
0x96: {  	_ =	strace s2  }
0x97: {  	_ =	strace $0x8FFFFFFF  }
0x98: {  	s19 =	sld [smem:$0x3FDB];
	_ =	sdelay $0x1  }
0x99: {  	s20 =	simm.s32 $_scs_section_size  }
0x9a: {  	s4 =	simm.s32 $_size__tile_overlayer_lowered;
	s5 =	simm.s32 $_tile_overlayer_lowered  }
0x9b: {  	s6 =	simm.s32 $0x1BFF;
	s21 =	sshll.u32 s5, $0x1;
	s3 =	sadd.s32 s20, s19  }
0x9c: {  	s22 =	simm.s32 $0x0;
	s4 =	sshll.u32 s4, $0x1;
	s5 =	sadd.s32 s21, s3  }
0x9d: {  	[timem:s22], [sflag:s6] =	dma.local [hbm:s5], s4  }
0x9e: {  	_ =	swait.ge [sflag:s6], s4  }
0x9f: {  	s4 =	ssub.s32 $0x0, s4;
	[sflag:s6] =	ssyncset.done $0x0  }
0xa0: {  	[sflag:s6] =	ssyncadd.s32 s4;
	_ =	sdelay $0x1  }
0xa1: {  	s23 =	simm.s32 $0x1B8B  }
0xa2: {  	_ =	swait.ge [sflag:s23], $0x1  }
0xa3: {  	[sflag:s23] =	ssyncset.done $0x0  }
0xa4: {  	[sflag:s23] =	ssyncadd.s32 $0xFFFFFFFF  }
0xa5: {  	s4 =	sld [smem:$0x0]  }
0xa6: {  	s5 =	sand.u32 $0xFFFFFFFE, s1  }
0xa7: {  	p0 =	sne.s32 s1, s5  }
0xa8: {  	s5 =	sshll.u32 @p0 s5, $0xE  }
0xa9: {  	s5 =	sadd.s32 @p0 $0x11B8D, s5;
	s6 =	sshll.u32 @p0 s4, $0x11  }
0xaa: {  	s5 =	sor.u32 @p0 s6, s5  }
0xab: {  	[sflag:s5] =	ssyncadd.remote.s32 @p0 $0x1;
	_ =	sdelay $0x1  }
0xac: {  	s5 =	simm.s32 @p0 $0x1B8D  }
0xad: {  	_ =	swait.eq @p0 [sflag:s5], $0x1  }
0xae: {  	[sflag:s5] =	ssyncadd.s32 @p0 $0xFFFFFFFF  }
0xaf: {  	s6 =	sshll.u32 @!p0 s1, $0xE  }
0xb0: {  	s6 =	sor.u32 @!p0 $0x4000, s6;
	s5 =	simm.s32 @!p0 $0x1B8D  }
0xb1: {  	s4 =	sshll.u32 @!p0 s4, $0x11;
	s6 =	sadd.s32 @!p0 $0x11B8D, s6;
	_ =	swait.eq @!p0 [sflag:s5], $0x1  }
0xb2: {  	s4 =	sor.u32 @!p0 s4, s6;
	[sflag:s5] =	ssyncadd.s32 @!p0 $0xFFFFFFFF  }
0xb3: {  	s25 =	simm.s32 $0x1B8E;
	s24 =	sld [smem:$0x3FFE];
	[sflag:s4] =	ssyncadd.remote.s32 @!p0 $0x1  }
0xb4: {  	s26 =	simm.s32 $execute0_lowered;
	[smem:$0x3FD2] =	sst s25  }
0xb5: {  	s5 =	sshll.u32 s26, $0x1;
	_ =	strace $0x80000049;
	[dreg:$0x1] =	wrdreg $0xFFFFFFFF  }
0xb6: {  	s28 =	simm.s32 $_size_execute0_lowered;
	s3 =	sadd.s32 s3, s5;
	[dreg:$0x0] =	wrdreg $0x0  }
0xb7: {  	s5 =	sshll.u32 s28, $0x1;
	[dreg:$0x2] =	wrdreg s3  }
0xb8: {  	[dreg:$0x3] =	wrdreg s5  }
0xb9: {  	[dreg:$0x4] =	wrdreg $0xC0  }
0xba: {  	_ =	task [dreg:s22], $0x5FFFF  }
0xbb: {  	[dreg:$0x1] =	wrdreg $0xFFFFFFFF  }
0xbc: {  	[dreg:$0x0] =	wrdreg $0x60  }
0xbd: {  	[dreg:$0x2] =	wrdreg s24  }
0xbe: {  	[dreg:$0x3] =	wrdreg $0x61000  }
0xbf: {  	[dreg:$0x4] =	wrdreg $0x9  }
0xc0: {  	_ =	task.clear_ibuf [dreg:s22], $0x5FFFF;
	_ =	strace $0x90000049  }
0xc1: {  	s29 =	simm.s32 $0x9;
	_ =	strace $0x8000004B  }
0xc2: {  	_ =	swait.ge [sflag:s29], $0x1  }
0xc3: {  	[sflag:s29] =	ssyncadd.s32 $0xFFFFFFFF  }
0xc4: {  	_ =	strace $0x9000004B  }
0xc5: {  	_ =	sfence  }
0xc6: {  	s30 =	sld [smem:$0x0];
	_ =	sdelay $0x2  }
0xc7: {  	s31 =	sshll.u32 s1, $0xD;
	s1 =	sshrl.u32 s1, $0x2  }
0xc8: {  	s4 =	sand.u32 $0x4000, s31;
	s1 =	sadd.s32 s1, s30  }
0xc9: {  	s0 =	sor.u32 s4, s0;
	s1 =	sshll.u32 s1, $0x11  }
0xca: {  	s0 =	sor.u32 s1, s0  }
0xcb: {  	s0 =	sadd.s32 $0x8F2B, s0  }
0xcc: {  	[sflag:s0] =	ssyncadd.remote.s32 $0x1  }
0xcd: {  	_ =	sfence.sel $0xFFFF  }
0xce: {  	[dreg:$0x0] =	wrdreg $0xFFFFFFFF;
	(pc) =	sbr.abs _section_cstart, $3  }
0xcf: {  	[dreg:$0x1] =	wrdreg $0xFFFFFFFF  }
0xd0: {  	_ =	task.clear_ibuf [dreg:s22], $0x2FFFF;
	_ =	strace $0x9FFFFFFF  }
0xd1: {  	(tm) =	ssettm $0x7FFFFFFF  }
tec
execute0_lowered:
.L_overlay_start_1:
0x0: {  	(tag) =	ssettag $0x1  }
0x1: {  	s6 =	rddreg [dreg:$0x0]  }
0x2: {  	s2 =	rddreg [dreg:$0x1];
	s4 =	srdreg.scid  }
0x3: {  	s3 =	simm.s32 $0x0;
	s1 =	stileid.u32;
	s23 =	simm.s32 $0x3  }
0x4: {  	s24 =	simm.s32 $0x100;
	s25 =	simm.s32 $0x80;
	s28 =	simm.s32 $0x2  }
0x5: {  	s29 =	simm.s32 $0x0;
	s7 =	sand.u32 $0x1, s4;
	s8 =	smul.u32 $0x2800, s1  }
0x6: {  	[smem:$0x7FF] =	sst s3;
	s21 =	sadd.s32 $0x2C00, s6;
	s26 =	smul.u32 $0x50000, s1  }
0x7: {  	s4 =	sshll.u32 s7, $0x4;
	_ =	strace $0x8000004A;
	s9 =	smul.u32 $0x28000, s7  }
0x8: {  	s7 =	ssub.s32 $0x2, s7;
	s5 =	sor.u32 s1, s4;
	s4 =	sadd.s32 $0x34C00, s6  }
0x9: {  	s31 =	sshrl.u32 s7, $0x1;
	s10 =	smul.u32 $0x2800, s5;
	s5 =	sadd.s32 $0x85000, s6  }
0xa: {  	s19 =	sadd.s32 s8, s9;
	s8 =	sshrl.u32 s26, $0x2;
	s26 =	simm.s32 $0x1  }
0xb: {  	s9 =	sadd.s32 s19, s6;
	s20 =	sor.u32 $0x180, s19;
	s22 =	sor.u32 $0x100, s19  }
0xc: {  	s30 =	sshrl.u32 s10, $0x3;
	s10 =	ssub.s32 s7, s31;
	s7 =	sadd.s32 s8, s2  }
0xd: {  	s9 =	sadd.s32 $0x85800, s9;
	s20 =	sshrl.u32 s20, $0x3;
	s22 =	sshrl.u32 s22, $0x3  }
0xe: {  	s6 =	sadd.s32 s21, s30;
	s10 =	smax.u32 s10, $0x1;
	s11 =	sadd.s32 $0x2000, s7  }
0xf: {  	s12 =	sadd.s32 $0x4000, s7;
	s13 =	sadd.s32 $0x6000, s7;
	s14 =	sadd.s32 $0x8000, s7  }
0x10: {  	s15 =	sadd.s32 $0xA000, s7;
	s16 =	sadd.s32 $0xC000, s7;
	s17 =	sadd.s32 $0xE000, s7  }
0x11: {  	s18 =	sadd.s32 $0x10000, s7;
	s19 =	sadd.s32 $0x12000, s7;
	s20 =	sadd.s32 s20, s21  }
0x12: {  	s21 =	sadd.s32 s22, s21;
	s22 =	simm.s32 $0x4100;
	s8 =	sadd.s32 $0x10, s6  }
.LBB2_1:
0x13: {  	[tilespmem:s22], [sflag:$0x3] =	stream.linear.gather [hbm4b:s4+s3], $0x2000, $0x38;
	[tilespmem:$0x1A100] =	vst v63  }
0x14: {  	_ =	swait.ge [sflag:s23], $0x2000  }
0x15: {  	[sflag:s23] =	ssyncset.done $0x0  }
0x16: {  	[sflag:s23] =	ssyncadd.s32 $0xFFFFE000  }
0x17: {  	[tilespmem:s24], [sflag:$0x3] =	stream.linear.gather [hbm4b:s5+s3], $0x4000, $0x38;
	[tilespmem:$0x1A100] =	vst v63  }
0x18: {  	_ =	swait.ge [sflag:s23], $0x4000  }
0x19: {  	[sflag:s23] =	ssyncset.done $0x0  }
0x1a: {  	[sflag:s23] =	ssyncadd.s32 $0xFFFFC000  }
0x1b: {  	[spmem:s7] =	stream.linear.scatter [tilespmem:s22], [sflag:$0x3], $0x2000, $0x38;
	[tilespmem:$0x1A100] =	vst v63  }
0x1c: {  	_ =	swait.ge [sflag:s23], $0x2000  }
0x1d: {  	[sflag:s23] =	ssyncset.done $0x0  }
0x1e: {  	[sflag:s23] =	ssyncadd.s32 $0xFFFFE000  }
0x1f: {  	[spmem:s11] =	stream.linear.scatter [tilespmem:s22], [sflag:$0x3], $0x2000, $0x38;
	[tilespmem:$0x1A100] =	vst v63  }
0x20: {  	_ =	swait.ge [sflag:s23], $0x2000  }
0x21: {  	[sflag:s23] =	ssyncset.done $0x0  }
0x22: {  	[sflag:s23] =	ssyncadd.s32 $0xFFFFE000  }
0x23: {  	[spmem:s12] =	stream.linear.scatter [tilespmem:s22], [sflag:$0x3], $0x2000, $0x38;
	[tilespmem:$0x1A100] =	vst v63  }
0x24: {  	_ =	swait.ge [sflag:s23], $0x2000  }
0x25: {  	[sflag:s23] =	ssyncset.done $0x0  }
0x26: {  	[sflag:s23] =	ssyncadd.s32 $0xFFFFE000  }
0x27: {  	[spmem:s13] =	stream.linear.scatter [tilespmem:s22], [sflag:$0x3], $0x2000, $0x38;
	[tilespmem:$0x1A100] =	vst v63  }
0x28: {  	_ =	swait.ge [sflag:s23], $0x2000  }
0x29: {  	[sflag:s23] =	ssyncset.done $0x0  }
0x2a: {  	[sflag:s23] =	ssyncadd.s32 $0xFFFFE000  }
0x2b: {  	[spmem:s14] =	stream.linear.scatter [tilespmem:s22], [sflag:$0x3], $0x2000, $0x38;
	[tilespmem:$0x1A100] =	vst v63  }
0x2c: {  	_ =	swait.ge [sflag:s23], $0x2000  }
0x2d: {  	[sflag:s23] =	ssyncset.done $0x0  }
0x2e: {  	[sflag:s23] =	ssyncadd.s32 $0xFFFFE000  }
0x2f: {  	[spmem:s15] =	stream.linear.scatter [tilespmem:s22], [sflag:$0x3], $0x2000, $0x38;
	[tilespmem:$0x1A100] =	vst v63  }
0x30: {  	_ =	swait.ge [sflag:s23], $0x2000  }
0x31: {  	[sflag:s23] =	ssyncset.done $0x0  }
0x32: {  	[sflag:s23] =	ssyncadd.s32 $0xFFFFE000  }
0x33: {  	[spmem:s16] =	stream.linear.scatter [tilespmem:s22], [sflag:$0x3], $0x2000, $0x38;
	[tilespmem:$0x1A100] =	vst v63  }
0x34: {  	_ =	swait.ge [sflag:s23], $0x2000  }
0x35: {  	[sflag:s23] =	ssyncset.done $0x0  }
0x36: {  	[sflag:s23] =	ssyncadd.s32 $0xFFFFE000  }
0x37: {  	[spmem:s17] =	stream.linear.scatter [tilespmem:s22], [sflag:$0x3], $0x2000, $0x38;
	[tilespmem:$0x1A100] =	vst v63  }
0x38: {  	_ =	swait.ge [sflag:s23], $0x2000  }
0x39: {  	[sflag:s23] =	ssyncset.done $0x0  }
0x3a: {  	[sflag:s23] =	ssyncadd.s32 $0xFFFFE000  }
0x3b: {  	[spmem:s18] =	stream.linear.scatter [tilespmem:s22], [sflag:$0x3], $0x2000, $0x38;
	[tilespmem:$0x1A100] =	vst v63  }
0x3c: {  	_ =	swait.ge [sflag:s23], $0x2000  }
0x3d: {  	[sflag:s23] =	ssyncset.done $0x0  }
0x3e: {  	[sflag:s23] =	ssyncadd.s32 $0xFFFFE000  }
0x3f: {  	[spmem:s19] =	stream.linear.scatter [tilespmem:s22], [sflag:$0x3], $0x2000, $0x38;
	[tilespmem:$0x1A100] =	vst v63  }
0x40: {  	_ =	swait.ge [sflag:s23], $0x2000  }
0x41: {  	[sflag:s23] =	ssyncset.done $0x0  }
0x42: {  	[sflag:s23] =	ssyncadd.s32 $0xFFFFE000  }
0x43: {  	[bflag:$0x0] =	sbarrier.arrive $0xFFFF  }
0x44: {  	[tilespmem:s3], [sflag:$0x1] =	stream.linear.gather [hbm4b:s6+s3], $0x80, $0x38;
	[tilespmem:$0x1A100] =	vst v63  }
0x45: {  	_ = 	snop  }
0x46: {  	[tilespmem:s25], [sflag:$0x2] =	stream.linear.gather [hbm4b:s8+s3], $0x80, $0x38;
	[tilespmem:$0x1A100] =	vst v63  }
0x47: {  	_ =	swait.ge [sflag:s26], $0x80  }
0x48: {  	[sflag:s26] =	ssyncset.done $0x0  }
0x49: {  	[sflag:s26] =	ssyncadd.s32 $0xFFFFFF80  }
0x4a: {  	[spmem:s2] =	stream.indirect.scatter.add.f32 [tilespmem:s24], [sflag:$0x3], $0x80, s3, s25, $0xb8;
	[tilespmem:$0x1A100] =	vst v63  }
0x4b: {  	_ =	swait.ge [sflag:s23], $0x4000  }
0x4c: {  	[sflag:s23] =	ssyncset.done $0x0  }
0x4d: {  	s30 =	sadd.s32 $0x0, s21;
	[sflag:s23] =	ssyncadd.s32 $0xFFFFC000  }
0x4e: {  	[tilespmem:s3], [sflag:$0x1] =	stream.linear.gather [hbm4b:s30+s3], $0x80, $0x38;
	[tilespmem:$0x1A100] =	vst v63  }
0x4f: {  	_ =	swait.ge [sflag:s28], $0x80  }
0x50: {  	[sflag:s28] =	ssyncset.done $0x0  }
0x51: {  	[sflag:s28] =	ssyncadd.s32 $0xFFFFFF80  }
0x52: {  	[spmem:s2] =	stream.indirect.scatter.add.f32 [tilespmem:s24], [sflag:$0x3], $0x80, s25, s25, $0xb8;
	[tilespmem:$0x1A100] =	vst v63  }
0x53: {  	_ =	swait.ge [sflag:s23], $0x4000  }
0x54: {  	[sflag:s23] =	ssyncset.done $0x0  }
0x55: {  	s31 =	sadd.s32 $0x0, s20;
	s30 =	simm.s32 $0x20;
	[sflag:s23] =	ssyncadd.s32 $0xFFFFC000  }
.LBB2_2:
0x56: {  	[tilespmem:s25], [sflag:$0x2] =	stream.linear.gather [hbm4b:s31+s3], $0x80, $0x38;
	[tilespmem:$0x1A100] =	vst v63  }
0x57: {  	s31 =	smov.u32 s30  }
0x58: {  	p0 =	sne.s32 s30, $0x4C0;
	s30 =	sadd.s32 $0x20, s30;
	_ =	swait.ge [sflag:s26], $0x80  }
0x59: {  	[sflag:s26] =	ssyncset.done $0x0  }
0x5a: {  	[sflag:s26] =	ssyncadd.s32 $0xFFFFFF80  }
0x5b: {  	[spmem:s2] =	stream.indirect.scatter.add.f32 [tilespmem:s24], [sflag:$0x3], $0x80, s3, s25, $0xb8;
	[tilespmem:$0x1A100] =	vst v63  }
0x5c: {  	_ =	swait.ge [sflag:s23], $0x4000  }
0x5d: {  	[sflag:s23] =	ssyncset.done $0x0  }
0x5e: {  	s0 =	sadd.s32 s31, s21;
	[sflag:s23] =	ssyncadd.s32 $0xFFFFC000  }
0x5f: {  	[tilespmem:s3], [sflag:$0x1] =	stream.linear.gather [hbm4b:s0+s3], $0x80, $0x38;
	[tilespmem:$0x1A100] =	vst v63  }
0x60: {  	_ =	swait.ge [sflag:s28], $0x80  }
0x61: {  	[sflag:s28] =	ssyncset.done $0x0  }
.Ltmp0:
0x62: {  	[sflag:s28] =	ssyncadd.s32 $0xFFFFFF80;
	(pc) =	sbr.rel @p0 .LBB2_2-.Ltmp0, $4  }
0x63: {  	[spmem:s2] =	stream.indirect.scatter.add.f32 [tilespmem:s24], [sflag:$0x3], $0x80, s25, s25, $0xb8;
	[tilespmem:$0x1A100] =	vst v63  }
0x64: {  	_ =	swait.ge [sflag:s23], $0x4000  }
0x65: {  	[sflag:s23] =	ssyncset.done $0x0  }
0x66: {  	s31 =	sadd.s32 s31, s20;
	[sflag:s23] =	ssyncadd.s32 $0xFFFFC000  }
0x67: {  	[tilespmem:s25], [sflag:$0x2] =	stream.linear.gather [hbm4b:s31+s3], $0x80, $0x38;
	[tilespmem:$0x1A100] =	vst v63  }
0x68: {  	_ =	swait.ge [sflag:s26], $0x80  }
0x69: {  	[sflag:s26] =	ssyncset.done $0x0  }
0x6a: {  	[sflag:s26] =	ssyncadd.s32 $0xFFFFFF80  }
0x6b: {  	[spmem:s2] =	stream.indirect.scatter.add.f32 [tilespmem:s24], [sflag:$0x3], $0x80, s3, s25, $0xb8;
	[tilespmem:$0x1A100] =	vst v63  }
0x6c: {  	_ =	swait.ge [sflag:s23], $0x4000  }
0x6d: {  	[sflag:s23] =	ssyncset.done $0x0  }
0x6e: {  	[sflag:s23] =	ssyncadd.s32 $0xFFFFC000  }
0x6f: {  	_ =	swait.ge [sflag:s28], $0x80  }
0x70: {  	[sflag:s28] =	ssyncset.done $0x0  }
0x71: {  	[sflag:s28] =	ssyncadd.s32 $0xFFFFFF80  }
0x72: {  	[spmem:s2] =	stream.indirect.scatter.add.f32 [tilespmem:s24], [sflag:$0x3], $0x80, s25, s25, $0xb8;
	[tilespmem:$0x1A100] =	vst v63  }
0x73: {  	_ =	swait.ge [sflag:s23], $0x4000  }
0x74: {  	s0 =	sshll.u32 s1, $0x6;
	s29 =	sadd.s32 $0x1, s29;
	[sflag:s23] =	ssyncset.done $0x0  }
0x75: {  	s30 =	sshrl.u32 s7, $0x3;
	p0 =	sne.s32 s29, s10;
	[sflag:s23] =	ssyncadd.s32 $0xFFFFC000  }
.Ltmp1:
0x76: {  	s0 =	sor.u32 $0x1C03, s0;
	[bflag:$0x0] =	sbarrier.arrive $0xFFFF;
	(pc) =	sbr.rel @p0 .LBB2_1-.Ltmp1, $4  }
0x77: {  	[hbm:s9], [sflag:s0] =	dma.local [spmem:s30], $0x2800  }
0x78: {  	_ =	swait.ge [sflag:s23], $0x2800  }
0x79: {  	[sflag:s23] =	ssyncset.done $0x0  }
0x7a: {  	[sflag:s23] =	ssyncadd.s32 $0xFFFFD800  }
0x7b: {  	_ =	sfence.sel $0x180000  }
0x7c: {  	[bflag:$0x0] =	sbarrier.arrive $0xFFFF  }
0x7d: {  	_ =	strace $0x9000004A  }
0x7e: {  	[bflag:$0x2] =	sbarrier.arrive $0xFFFF  }
0x7f: {  	p0 =	sne.s32 s1, $0x0;
	s0 =	rddreg [dreg:$0x2]  }
0x80: {  	s0 =	sadd.s32 @!p0 $0x100000, s0  }
0x81: {  	[sflag:s0] =	ssyncadd.tile.s32 @!p0 $0x1;
	_ =	shalt  }
.Lfunc_end2:
_tile_overlayer_lowered:
.L_overlay_start_2:
0x82: {  	(tag) =	ssettag $0x2  }
0x83: {  	s0 =	rddreg [dreg:$0x0];
	s2 =	stileid.u32  }
0x84: {  	s1 =	rddreg [dreg:$0x1];
	p0 =	sne.s32 s2, $0x0  }
0x85: {  	s3 =	rddreg [dreg:$0x2];
	[bflag:$0x3] =	sbarrier.arrive $0xFFFF;
	s2 =	simm.s32 @!p0 $0x1C03  }
0x86: {  	[timem:s3], [sflag:s2] =	dma.local @!p0 [hbm:s0], s1  }
0x87: {  	s0 =	simm.s32 @!p0 $0x3  }
0x88: {  	_ =	swait.ge @!p0 [sflag:s0], s1  }
0x89: {  	s1 =	ssub.s32 @!p0 $0x0, s1;
	[sflag:s0] =	ssyncset.done @!p0 $0x0  }
0x8a: {  	[sflag:s0] =	ssyncadd.s32 @!p0 s1  }
0x8b: {  	[bflag:$0x3] =	sbarrier.arrive $0xFFFF  }
0x8c: {  	_ =	shalt  }

</sc_bundles>
